<compile_context>
chip_gen: v7x
topology: tpu7x:2x2x1
jax: 0.10.2.dev20260603
libtpu: 0.0.44.dev20260713+nightly
codegen_flags: <defaults>
</compile_context>

<pallas_src>
import functools

import jax
import jax.numpy as jnp
from jax import lax
from jax.experimental import pallas as pl
from jax.experimental.pallas import tpu as pltpu
from jax.experimental.pallas import tpu_sc as plsc

B = 4
C = 12
X = 64
V = X * X * X
XCH = 16
GX = X // XCH
RPG = XCH * X
RW = GX * RPG
LN = 2 * X
NW = 32
RPW = RW // NW


def _tc_stage1(pred_ref, targ_ref, lw_ref, out_ref):
    p = pred_ref[0]
    t = targ_ref[0]
    m = jnp.max(p, axis=0)
    s = jnp.sum(jnp.exp(p - m[None]), axis=0)
    lse = m + jnp.log(s)
    tp = jnp.sum(t * p, axis=0)
    ts = jnp.sum(t, axis=0)
    kl = (lse - tp).reshape(RPG, X)
    tsf = ts.reshape(RPG, X)
    lwf = lw_ref[0].reshape(RPG, X)
    valid = jnp.logical_and(lwf > 0, tsf == 1.0)
    out_ref[0, :, 0:X] = jnp.where(valid, kl, 0.0)
    out_ref[0, :, X:LN] = jnp.where(valid, 1.0, 0.0)


@functools.cache
def _build_stage1():
    return pl.pallas_call(
        _tc_stage1,
        grid=(B, GX),
        in_specs=[
            pl.BlockSpec((1, C, XCH, X, X), lambda b, g: (b, 0, g, 0, 0)),
            pl.BlockSpec((1, C, XCH, X, X), lambda b, g: (b, 0, g, 0, 0)),
            pl.BlockSpec((1, XCH, X, X), lambda b, g: (b, g, 0, 0)),
        ],
        out_specs=pl.BlockSpec((1, RPG, LN), lambda b, g: (b, g, 0)),
        out_shape=jax.ShapeDtypeStruct((B, RW, LN), jnp.float32),
    )


def _sc_body(rv_hbm, out_hbm, rv_v0, rv_v1, st_v, sems):
    w = lax.axis_index("s") * 2 + lax.axis_index("c")
    row0 = w * RPW
    bufs = (rv_v0, rv_v1)

    def start_tile(b, slot):
        pltpu.async_copy(rv_hbm.at[b, pl.ds(row0, RPW), :], bufs[slot],
                         sems.at[slot])

    def wait_tile(slot):
        pltpu.make_async_copy(rv_hbm.at[0, pl.ds(0, RPW), :], bufs[slot],
                              sems.at[slot]).wait()

    start_tile(0, 0)
    start_tile(1, 1)
    for b in range(B):
        slot = b % 2
        wait_tile(slot)
        rv = bufs[slot]

        def y_body(y, c2, rv=rv):
            s_acc, c_acc = c2
            for zg in range(4):
                s_acc = s_acc + rv[y, pl.ds(zg * 16, 16)]
            for zg in range(4, 8):
                c_acc = c_acc + rv[y, pl.ds(zg * 16, 16)]
            return s_acc, c_acc

        acc = lax.fori_loop(
            0, RPW, y_body,
            (jnp.zeros((16,), jnp.float32), jnp.zeros((16,), jnp.float32)))

        if b + 2 < B:
            start_tile(b + 2, slot)
        st_v[pl.ds(0, 16)] = acc[0]
        st_v[pl.ds(16, 16)] = acc[1]
        pltpu.sync_copy(st_v, out_hbm.at[b, w, :])


@functools.cache
def _build_sc_reduce():
    return pl.kernel(
        _sc_body,
        out_type=jax.ShapeDtypeStruct((B, NW, LN), jnp.float32),
        mesh=plsc.VectorSubcoreMesh(core_axis_name="c", subcore_axis_name="s"),
        scratch_types=[
            pltpu.VMEM((RPW, LN), jnp.float32),
            pltpu.VMEM((RPW, LN), jnp.float32),
            pltpu.VMEM((LN,), jnp.float32),
            pltpu.SemaphoreType.DMA((2,)),
        ],
    )


def _combine(part_ref, out_ref):
    a = jnp.sum(part_ref[...], axis=1)
    s = jnp.sum(a[:, 0:16], axis=1, keepdims=True)
    c = jnp.sum(a[:, 16:32], axis=1, keepdims=True)
    per_b = jnp.where(c > 0, s / jnp.where(c > 0, c, 1.0), 0.0)
    out_ref[...] = jnp.sum(per_b, axis=0, keepdims=True) * (1.0 / B)


def kernel(pred, target, label_weight):
    lw4 = label_weight.reshape(B, X, X, X)
    rv = _build_stage1()(pred, target, lw4)
    part = _build_sc_reduce()(rv)
    out = pl.pallas_call(
        _combine,
        out_shape=jax.ShapeDtypeStruct((1, 1), jnp.float32),
    )(part)
    return out[0, 0]

# --- scband reference (transcript-rebuilt; emitter-appended) ---
"""Pipeline reference for scband-multi-label-loss4-68444598829453 (READ-ONLY COPY).

The authoritative reference and input builder live on the scoring server;
editing this copy changes nothing except your own understanding.
"""

import jax, jax.numpy as jnp
import numpy as np


def setup_inputs(seed: int = 0) -> dict:
    key = jax.random.key(seed)
    k1, k2, k3 = jax.random.split(key, 3)
    pred = jax.random.normal(k1, (4, 12, 64, 64, 64), dtype=jnp.float32)
    target = jax.random.randint(k2, (4, 12, 64, 64, 64), 0, 2).astype(jnp.float32)
    label_weight = jax.random.randint(k3, (4, 262144), 0, 2, dtype=jnp.int32)
    return {"pred": pred, "target": target, "label_weight": label_weight}


def reference(pred, target, label_weight):
    # Faithful translation of MultiLabelLoss4.forward with KLDivLoss(reduction='batchmean').
    # Dynamic index_select (torch.nonzero) is replaced by an equivalent static mask:
    # log_softmax is row-wise, so masking rows out of the sum and dividing by the
    # selected-row count reproduces batchmean over the selected rows exactly.
    b = label_weight.shape[0]
    total = jnp.float32(0.0)
    for i in range(b):
        lw = label_weight[i]
        tb = target[i]           # [12, X, Y, Z]
        pb = pred[i]             # [12, X, Y, Z]
        tw = (tb.sum(axis=0) == 1).reshape(lw.shape[0]).astype(jnp.int32)
        w = (lw.astype(jnp.int32) & tw).astype(jnp.float32)   # [V]
        t_flat = jnp.transpose(tb, (1, 2, 3, 0)).reshape(-1, 12)
        p_flat = jnp.transpose(pb, (1, 2, 3, 0)).reshape(-1, 12)
        logp = jax.nn.log_softmax(p_flat, axis=1)
        t_safe = jnp.where(t_flat > 0, t_flat, 1.0)
        kl = t_flat * jnp.log(t_safe) - t_flat * logp          # xlogy semantics (0*log0 = 0)
        row_kl = kl.sum(axis=1)                                # per selected-row KL sum
        cnt = w.sum()
        loss_b = jnp.where(cnt > 0, (row_kl * w).sum() / cnt, 0.0)  # batchmean over selected rows; skip if empty
        total = total + loss_b
    return total / b

if __name__ == "__main__":
    import jax
    _d = setup_inputs()
    print(jax.jit(kernel)(*tuple(_d.values())))

</pallas_src>

<mosaic_0001>
#map = affine_map<(d0, d1) -> (0, 0, 0)>
module attributes {stable_mosaic.version = 14 : i64} {
  func.func @_sc_body(%arg0: i32, %arg1: i32, %arg2: memref<4x4096x128xf32, #tpu.memory_space<hbm>>, %arg3: memref<4x32x128xf32, #tpu.memory_space<hbm>>, %arg4: memref<128x128xf32, #tpu.memory_space<vmem>>, %arg5: memref<128x128xf32, #tpu.memory_space<vmem>>, %arg6: memref<128xf32, #tpu.memory_space<vmem>>, %arg7: memref<2x!tpu.dma_semaphore, #tpu.memory_space<semaphore_mem>>) attributes {dimension_semantics = [#tpu.dimension_semantics<core_parallel>, #tpu.dimension_semantics<subcore_parallel>], iteration_bounds = array<i64: 2, 16>, scalar_prefetch = 0 : i64, scratch_operands = 4 : i64, tpu.core_type = #tpu.core_type<sc_vector_subcore>, window_params = [{transform_indices = #map}, {transform_indices = #map}]} {
    %mul3A = arith.constant 2 : i32
    %mul3A_0 = arith.muli %arg1, %mul3A : i32
    %add3A = arith.addi %mul3A_0, %arg0 : i32
    %mul3A_1 = arith.constant 128 : i32
    %mul3A_2 = arith.muli %add3A, %mul3A_1 : i32
    %dma_start3A = arith.constant 0 : i32
    %dma_start3A_3 = arith.constant 0 : i32
    %dma_start3A_4 = arith.constant 0 : i32
    %dma_start3A_5 = tpu.memref_slice %arg2[%dma_start3A, %mul3A_2, %dma_start3A_4] : memref<4x4096x128xf32, #tpu.memory_space<hbm>> -> memref<1x128x128xf32, #tpu.memory_space<hbm>>
    %dma_start3A_6 = tpu.memref_squeeze %dma_start3A_5 : memref<1x128x128xf32, #tpu.memory_space<hbm>> -> memref<128x128xf32, #tpu.memory_space<hbm>>
    %dma_start3A_7 = tpu.memref_slice %arg7[%dma_start3A_3] : memref<2x!tpu.dma_semaphore, #tpu.memory_space<semaphore_mem>> -> memref<1x!tpu.dma_semaphore, #tpu.memory_space<semaphore_mem>>
    %dma_start3A_8 = tpu.memref_squeeze %dma_start3A_7 : memref<1x!tpu.dma_semaphore, #tpu.memory_space<semaphore_mem>> -> memref<!tpu.dma_semaphore, #tpu.memory_space<semaphore_mem>>
    %dma_start3A_9 = arith.constant 0 : i32
    %dma_start3A_10 = tpu.memref_slice %arg2[%dma_start3A, %mul3A_2, %dma_start3A_9] : memref<4x4096x128xf32, #tpu.memory_space<hbm>> -> memref<1x128x128xf32, #tpu.memory_space<hbm>>
    %dma_start3A_11 = tpu.memref_squeeze %dma_start3A_10 : memref<1x128x128xf32, #tpu.memory_space<hbm>> -> memref<128x128xf32, #tpu.memory_space<hbm>>
    tpu.enqueue_dma source(%dma_start3A_11 : memref<128x128xf32, #tpu.memory_space<hbm>>) target(%arg4 : memref<128x128xf32, #tpu.memory_space<vmem>>) target_semaphore(%dma_start3A_8 : memref<!tpu.dma_semaphore, #tpu.memory_space<semaphore_mem>>)
    %dma_start3A_12 = arith.constant 1 : i32
    %dma_start3A_13 = arith.constant 1 : i32
    %dma_start3A_14 = arith.constant 0 : i32
    %dma_start3A_15 = tpu.memref_slice %arg2[%dma_start3A_12, %mul3A_2, %dma_start3A_14] : memref<4x4096x128xf32, #tpu.memory_space<hbm>> -> memref<1x128x128xf32, #tpu.memory_space<hbm>>
    %dma_start3A_16 = tpu.memref_squeeze %dma_start3A_15 : memref<1x128x128xf32, #tpu.memory_space<hbm>> -> memref<128x128xf32, #tpu.memory_space<hbm>>
    %dma_start3A_17 = tpu.memref_slice %arg7[%dma_start3A_13] : memref<2x!tpu.dma_semaphore, #tpu.memory_space<semaphore_mem>> -> memref<1x!tpu.dma_semaphore, #tpu.memory_space<semaphore_mem>>
    %dma_start3A_18 = tpu.memref_squeeze %dma_start3A_17 : memref<1x!tpu.dma_semaphore, #tpu.memory_space<semaphore_mem>> -> memref<!tpu.dma_semaphore, #tpu.memory_space<semaphore_mem>>
    %dma_start3A_19 = arith.constant 0 : i32
    %dma_start3A_20 = tpu.memref_slice %arg2[%dma_start3A_12, %mul3A_2, %dma_start3A_19] : memref<4x4096x128xf32, #tpu.memory_space<hbm>> -> memref<1x128x128xf32, #tpu.memory_space<hbm>>
    %dma_start3A_21 = tpu.memref_squeeze %dma_start3A_20 : memref<1x128x128xf32, #tpu.memory_space<hbm>> -> memref<128x128xf32, #tpu.memory_space<hbm>>
    tpu.enqueue_dma source(%dma_start3A_21 : memref<128x128xf32, #tpu.memory_space<hbm>>) target(%arg5 : memref<128x128xf32, #tpu.memory_space<vmem>>) target_semaphore(%dma_start3A_18 : memref<!tpu.dma_semaphore, #tpu.memory_space<semaphore_mem>>)
    %dma_wait3A = arith.constant 0 : i32
    %dma_wait3A_22 = arith.constant 0 : i32
    %dma_wait3A_23 = arith.constant 0 : i32
    %dma_wait3A_24 = arith.constant 0 : i32
    %dma_wait3A_25 = tpu.memref_slice %arg2[%dma_wait3A, %dma_wait3A_23, %dma_wait3A_24] : memref<4x4096x128xf32, #tpu.memory_space<hbm>> -> memref<1x128x128xf32, #tpu.memory_space<hbm>>
    %dma_wait3A_26 = tpu.memref_squeeze %dma_wait3A_25 : memref<1x128x128xf32, #tpu.memory_space<hbm>> -> memref<128x128xf32, #tpu.memory_space<hbm>>
    %dma_wait3A_27 = tpu.memref_slice %arg7[%dma_wait3A_22] : memref<2x!tpu.dma_semaphore, #tpu.memory_space<semaphore_mem>> -> memref<1x!tpu.dma_semaphore, #tpu.memory_space<semaphore_mem>>
    %dma_wait3A_28 = tpu.memref_squeeze %dma_wait3A_27 : memref<1x!tpu.dma_semaphore, #tpu.memory_space<semaphore_mem>> -> memref<!tpu.dma_semaphore, #tpu.memory_space<semaphore_mem>>
    %dma_wait3A_29 = arith.constant 0 : i32
    %dma_wait3A_30 = arith.constant 0 : i32
    %dma_wait3A_31 = tpu.memref_slice %arg2[%dma_wait3A, %dma_wait3A_29, %dma_wait3A_30] : memref<4x4096x128xf32, #tpu.memory_space<hbm>> -> memref<1x128x128xf32, #tpu.memory_space<hbm>>
    %dma_wait3A_32 = tpu.memref_squeeze %dma_wait3A_31 : memref<1x128x128xf32, #tpu.memory_space<hbm>> -> memref<128x128xf32, #tpu.memory_space<hbm>>
    tpu.wait_dma2 semaphore(%dma_wait3A_28 : memref<!tpu.dma_semaphore, #tpu.memory_space<semaphore_mem>>) src(%dma_wait3A_32 : memref<128x128xf32, #tpu.memory_space<hbm>>) dst(%arg4 : memref<128x128xf32, #tpu.memory_space<vmem>>)
    %broadcast_in_dim3A = arith.constant 0.000000e+00 : f32
    %broadcast_in_dim3A_33 = vector.broadcast %broadcast_in_dim3A : f32 to vector<16xf32>
    %broadcast_in_dim3A_34 = arith.constant 0.000000e+00 : f32
    %broadcast_in_dim3A_35 = vector.broadcast %broadcast_in_dim3A_34 : f32 to vector<16xf32>
    %scan3A = arith.constant 0 : i32
    %scan3A_36 = arith.constant 128 : i32
    %scan3A_37 = arith.addi %scan3A, %scan3A_36 : i32
    %scan3A_38 = arith.constant 1 : i32
    %scan3A_39:2 = scf.for %scan3A_161 = %scan3A to %scan3A_37 step %scan3A_38 iter_args(%scan3A_162 = %broadcast_in_dim3A_33, %scan3A_163 = %broadcast_in_dim3A_35) -> (vector<16xf32>, vector<16xf32>)  : i32 {
      %get3A = arith.index_cast %scan3A_161 : i32 to index
      %get3A_164 = arith.constant 0 : index
      %get3A_165 = tpu.vector_load %arg4[%get3A, %get3A_164] {strides = array<i32>} : memref<128x128xf32, #tpu.memory_space<vmem>>, vector<1x16xf32>,
      %get3A_166 = vector.shape_cast %get3A_165 : vector<1x16xf32> to vector<16xf32>
      %add3A_167 = arith.addf %scan3A_162, %get3A_166 : vector<16xf32>
      %get3A_168 = arith.index_cast %scan3A_161 : i32 to index
      %get3A_169 = arith.constant 16 : index
      %get3A_170 = tpu.vector_load %arg4[%get3A_168, %get3A_169] {strides = array<i32>} : memref<128x128xf32, #tpu.memory_space<vmem>>, vector<1x16xf32>,
      %get3A_171 = vector.shape_cast %get3A_170 : vector<1x16xf32> to vector<16xf32>
      %add3A_172 = arith.addf %add3A_167, %get3A_171 : vector<16xf32>
      %get3A_173 = arith.index_cast %scan3A_161 : i32 to index
      %get3A_174 = arith.constant 32 : index
      %get3A_175 = tpu.vector_load %arg4[%get3A_173, %get3A_174] {strides = array<i32>} : memref<128x128xf32, #tpu.memory_space<vmem>>, vector<1x16xf32>,
      %get3A_176 = vector.shape_cast %get3A_175 : vector<1x16xf32> to vector<16xf32>
      %add3A_177 = arith.addf %add3A_172, %get3A_176 : vector<16xf32>
      %get3A_178 = arith.index_cast %scan3A_161 : i32 to index
      %get3A_179 = arith.constant 48 : index
      %get3A_180 = tpu.vector_load %arg4[%get3A_178, %get3A_179] {strides = array<i32>} : memref<128x128xf32, #tpu.memory_space<vmem>>, vector<1x16xf32>,
      %get3A_181 = vector.shape_cast %get3A_180 : vector<1x16xf32> to vector<16xf32>
      %add3A_182 = arith.addf %add3A_177, %get3A_181 : vector<16xf32>
      %get3A_183 = arith.index_cast %scan3A_161 : i32 to index
      %get3A_184 = arith.constant 64 : index
      %get3A_185 = tpu.vector_load %arg4[%get3A_183, %get3A_184] {strides = array<i32>} : memref<128x128xf32, #tpu.memory_space<vmem>>, vector<1x16xf32>,
      %get3A_186 = vector.shape_cast %get3A_185 : vector<1x16xf32> to vector<16xf32>
      %add3A_187 = arith.addf %scan3A_163, %get3A_186 : vector<16xf32>
      %get3A_188 = arith.index_cast %scan3A_161 : i32 to index
      %get3A_189 = arith.constant 80 : index
      %get3A_190 = tpu.vector_load %arg4[%get3A_188, %get3A_189] {strides = array<i32>} : memref<128x128xf32, #tpu.memory_space<vmem>>, vector<1x16xf32>,
      %get3A_191 = vector.shape_cast %get3A_190 : vector<1x16xf32> to vector<16xf32>
      %add3A_192 = arith.addf %add3A_187, %get3A_191 : vector<16xf32>
      %get3A_193 = arith.index_cast %scan3A_161 : i32 to index
      %get3A_194 = arith.constant 96 : index
      %get3A_195 = tpu.vector_load %arg4[%get3A_193, %get3A_194] {strides = array<i32>} : memref<128x128xf32, #tpu.memory_space<vmem>>, vector<1x16xf32>,
      %get3A_196 = vector.shape_cast %get3A_195 : vector<1x16xf32> to vector<16xf32>
      %add3A_197 = arith.addf %add3A_192, %get3A_196 : vector<16xf32>
      %get3A_198 = arith.index_cast %scan3A_161 : i32 to index
      %get3A_199 = arith.constant 112 : index
      %get3A_200 = tpu.vector_load %arg4[%get3A_198, %get3A_199] {strides = array<i32>} : memref<128x128xf32, #tpu.memory_space<vmem>>, vector<1x16xf32>,
      %get3A_201 = vector.shape_cast %get3A_200 : vector<1x16xf32> to vector<16xf32>
      %add3A_202 = arith.addf %add3A_197, %get3A_201 : vector<16xf32>
      scf.yield %add3A_182, %add3A_202 : vector<16xf32>, vector<16xf32>
    }
    %scan3A_40 = arith.constant 128 : i32
    %dma_start3A_41 = arith.constant 2 : i32
    %dma_start3A_42 = arith.constant 0 : i32
    %dma_start3A_43 = arith.constant 0 : i32
    %dma_start3A_44 = tpu.memref_slice %arg2[%dma_start3A_41, %mul3A_2, %dma_start3A_43] : memref<4x4096x128xf32, #tpu.memory_space<hbm>> -> memref<1x128x128xf32, #tpu.memory_space<hbm>>
    %dma_start3A_45 = tpu.memref_squeeze %dma_start3A_44 : memref<1x128x128xf32, #tpu.memory_space<hbm>> -> memref<128x128xf32, #tpu.memory_space<hbm>>
    %dma_start3A_46 = tpu.memref_slice %arg7[%dma_start3A_42] : memref<2x!tpu.dma_semaphore, #tpu.memory_space<semaphore_mem>> -> memref<1x!tpu.dma_semaphore, #tpu.memory_space<semaphore_mem>>
    %dma_start3A_47 = tpu.memref_squeeze %dma_start3A_46 : memref<1x!tpu.dma_semaphore, #tpu.memory_space<semaphore_mem>> -> memref<!tpu.dma_semaphore, #tpu.memory_space<semaphore_mem>>
    %dma_start3A_48 = arith.constant 0 : i32
    %dma_start3A_49 = tpu.memref_slice %arg2[%dma_start3A_41, %mul3A_2, %dma_start3A_48] : memref<4x4096x128xf32, #tpu.memory_space<hbm>> -> memref<1x128x128xf32, #tpu.memory_space<hbm>>
    %dma_start3A_50 = tpu.memref_squeeze %dma_start3A_49 : memref<1x128x128xf32, #tpu.memory_space<hbm>> -> memref<128x128xf32, #tpu.memory_space<hbm>>
    tpu.enqueue_dma source(%dma_start3A_50 : memref<128x128xf32, #tpu.memory_space<hbm>>) target(%arg4 : memref<128x128xf32, #tpu.memory_space<vmem>>) target_semaphore(%dma_start3A_47 : memref<!tpu.dma_semaphore, #tpu.memory_space<semaphore_mem>>)
    %swap3A = arith.constant 0 : index
    %swap3A_51 = tpu.vector_load %arg6[%swap3A] {strides = array<i32>} : memref<128xf32, #tpu.memory_space<vmem>>, vector<16xf32>,
    %swap3A_52 = vector.shape_cast %swap3A_51 : vector<16xf32> to vector<16xf32>
    %swap3A_53 = vector.shape_cast %scan3A_39#0 : vector<16xf32> to vector<16xf32>
    tpu.vector_store %arg6[%swap3A], %swap3A_53 {strides = array<i32>} : memref<128xf32, #tpu.memory_space<vmem>>, vector<16xf32>,
    %swap3A_54 = arith.constant 16 : index
    %swap3A_55 = tpu.vector_load %arg6[%swap3A_54] {strides = array<i32>} : memref<128xf32, #tpu.memory_space<vmem>>, vector<16xf32>,
    %swap3A_56 = vector.shape_cast %swap3A_55 : vector<16xf32> to vector<16xf32>
    %swap3A_57 = vector.shape_cast %scan3A_39#1 : vector<16xf32> to vector<16xf32>
    tpu.vector_store %arg6[%swap3A_54], %swap3A_57 {strides = array<i32>} : memref<128xf32, #tpu.memory_space<vmem>>, vector<16xf32>,
    %run_scoped3A = arith.constant 0 : i32
    "tpu.region"() ({
      %run_scoped3A_161 = tpu.sem_alloc : memref<!tpu.dma_semaphore, #tpu.memory_space<semaphore_mem>>
      %dma_start3A_162 = arith.constant 0 : i32
      %dma_start3A_163 = tpu.memref_slice %arg3[%run_scoped3A, %add3A, %dma_start3A_162] : memref<4x32x128xf32, #tpu.memory_space<hbm>> -> memref<1x1x128xf32, #tpu.memory_space<hbm>>
      %dma_start3A_164 = tpu.memref_squeeze %dma_start3A_163 : memref<1x1x128xf32, #tpu.memory_space<hbm>> -> memref<128xf32, #tpu.memory_space<hbm>>
      %dma_start3A_165 = arith.constant 0 : i32
      %dma_start3A_166 = tpu.memref_slice %arg3[%run_scoped3A, %add3A, %dma_start3A_165] : memref<4x32x128xf32, #tpu.memory_space<hbm>> -> memref<1x1x128xf32, #tpu.memory_space<hbm>>
      %dma_start3A_167 = tpu.memref_squeeze %dma_start3A_166 : memref<1x1x128xf32, #tpu.memory_space<hbm>> -> memref<128xf32, #tpu.memory_space<hbm>>
      tpu.enqueue_dma source(%arg6 : memref<128xf32, #tpu.memory_space<vmem>>) target(%dma_start3A_167 : memref<128xf32, #tpu.memory_space<hbm>>) target_semaphore(%run_scoped3A_161 : memref<!tpu.dma_semaphore, #tpu.memory_space<semaphore_mem>>)
      %dma_wait3A_168 = arith.constant 0 : i32
      %dma_wait3A_169 = tpu.memref_slice %arg3[%run_scoped3A, %add3A, %dma_wait3A_168] : memref<4x32x128xf32, #tpu.memory_space<hbm>> -> memref<1x1x128xf32, #tpu.memory_space<hbm>>
      %dma_wait3A_170 = tpu.memref_squeeze %dma_wait3A_169 : memref<1x1x128xf32, #tpu.memory_space<hbm>> -> memref<128xf32, #tpu.memory_space<hbm>>
      %dma_wait3A_171 = arith.constant 0 : i32
      %dma_wait3A_172 = tpu.memref_slice %arg3[%run_scoped3A, %add3A, %dma_wait3A_171] : memref<4x32x128xf32, #tpu.memory_space<hbm>> -> memref<1x1x128xf32, #tpu.memory_space<hbm>>
      %dma_wait3A_173 = tpu.memref_squeeze %dma_wait3A_172 : memref<1x1x128xf32, #tpu.memory_space<hbm>> -> memref<128xf32, #tpu.memory_space<hbm>>
      tpu.wait_dma2 semaphore(%run_scoped3A_161 : memref<!tpu.dma_semaphore, #tpu.memory_space<semaphore_mem>>) src(%arg6 : memref<128xf32, #tpu.memory_space<vmem>>) dst(%dma_wait3A_173 : memref<128xf32, #tpu.memory_space<hbm>>)
      tpu.yield
    }) : () -> ()
    %dma_wait3A_58 = arith.constant 0 : i32
    %dma_wait3A_59 = arith.constant 1 : i32
    %dma_wait3A_60 = arith.constant 0 : i32
    %dma_wait3A_61 = arith.constant 0 : i32
    %dma_wait3A_62 = tpu.memref_slice %arg2[%dma_wait3A_58, %dma_wait3A_60, %dma_wait3A_61] : memref<4x4096x128xf32, #tpu.memory_space<hbm>> -> memref<1x128x128xf32, #tpu.memory_space<hbm>>
    %dma_wait3A_63 = tpu.memref_squeeze %dma_wait3A_62 : memref<1x128x128xf32, #tpu.memory_space<hbm>> -> memref<128x128xf32, #tpu.memory_space<hbm>>
    %dma_wait3A_64 = tpu.memref_slice %arg7[%dma_wait3A_59] : memref<2x!tpu.dma_semaphore, #tpu.memory_space<semaphore_mem>> -> memref<1x!tpu.dma_semaphore, #tpu.memory_space<semaphore_mem>>
    %dma_wait3A_65 = tpu.memref_squeeze %dma_wait3A_64 : memref<1x!tpu.dma_semaphore, #tpu.memory_space<semaphore_mem>> -> memref<!tpu.dma_semaphore, #tpu.memory_space<semaphore_mem>>
    %dma_wait3A_66 = arith.constant 0 : i32
    %dma_wait3A_67 = arith.constant 0 : i32
    %dma_wait3A_68 = tpu.memref_slice %arg2[%dma_wait3A_58, %dma_wait3A_66, %dma_wait3A_67] : memref<4x4096x128xf32, #tpu.memory_space<hbm>> -> memref<1x128x128xf32, #tpu.memory_space<hbm>>
    %dma_wait3A_69 = tpu.memref_squeeze %dma_wait3A_68 : memref<1x128x128xf32, #tpu.memory_space<hbm>> -> memref<128x128xf32, #tpu.memory_space<hbm>>
    tpu.wait_dma2 semaphore(%dma_wait3A_65 : memref<!tpu.dma_semaphore, #tpu.memory_space<semaphore_mem>>) src(%dma_wait3A_69 : memref<128x128xf32, #tpu.memory_space<hbm>>) dst(%arg5 : memref<128x128xf32, #tpu.memory_space<vmem>>)
    %broadcast_in_dim3A_70 = arith.constant 0.000000e+00 : f32
    %broadcast_in_dim3A_71 = vector.broadcast %broadcast_in_dim3A_70 : f32 to vector<16xf32>
    %broadcast_in_dim3A_72 = arith.constant 0.000000e+00 : f32
    %broadcast_in_dim3A_73 = vector.broadcast %broadcast_in_dim3A_72 : f32 to vector<16xf32>
    %scan3A_74 = arith.constant 0 : i32
    %scan3A_75 = arith.constant 128 : i32
    %scan3A_76 = arith.addi %scan3A_74, %scan3A_75 : i32
    %scan3A_77 = arith.constant 1 : i32
    %scan3A_78:2 = scf.for %scan3A_161 = %scan3A_74 to %scan3A_76 step %scan3A_77 iter_args(%scan3A_162 = %broadcast_in_dim3A_71, %scan3A_163 = %broadcast_in_dim3A_73) -> (vector<16xf32>, vector<16xf32>)  : i32 {
      %get3A = arith.index_cast %scan3A_161 : i32 to index
      %get3A_164 = arith.constant 0 : index
      %get3A_165 = tpu.vector_load %arg5[%get3A, %get3A_164] {strides = array<i32>} : memref<128x128xf32, #tpu.memory_space<vmem>>, vector<1x16xf32>,
      %get3A_166 = vector.shape_cast %get3A_165 : vector<1x16xf32> to vector<16xf32>
      %add3A_167 = arith.addf %scan3A_162, %get3A_166 : vector<16xf32>
      %get3A_168 = arith.index_cast %scan3A_161 : i32 to index
      %get3A_169 = arith.constant 16 : index
      %get3A_170 = tpu.vector_load %arg5[%get3A_168, %get3A_169] {strides = array<i32>} : memref<128x128xf32, #tpu.memory_space<vmem>>, vector<1x16xf32>,
      %get3A_171 = vector.shape_cast %get3A_170 : vector<1x16xf32> to vector<16xf32>
      %add3A_172 = arith.addf %add3A_167, %get3A_171 : vector<16xf32>
      %get3A_173 = arith.index_cast %scan3A_161 : i32 to index
      %get3A_174 = arith.constant 32 : index
      %get3A_175 = tpu.vector_load %arg5[%get3A_173, %get3A_174] {strides = array<i32>} : memref<128x128xf32, #tpu.memory_space<vmem>>, vector<1x16xf32>,
      %get3A_176 = vector.shape_cast %get3A_175 : vector<1x16xf32> to vector<16xf32>
      %add3A_177 = arith.addf %add3A_172, %get3A_176 : vector<16xf32>
      %get3A_178 = arith.index_cast %scan3A_161 : i32 to index
      %get3A_179 = arith.constant 48 : index
      %get3A_180 = tpu.vector_load %arg5[%get3A_178, %get3A_179] {strides = array<i32>} : memref<128x128xf32, #tpu.memory_space<vmem>>, vector<1x16xf32>,
      %get3A_181 = vector.shape_cast %get3A_180 : vector<1x16xf32> to vector<16xf32>
      %add3A_182 = arith.addf %add3A_177, %get3A_181 : vector<16xf32>
      %get3A_183 = arith.index_cast %scan3A_161 : i32 to index
      %get3A_184 = arith.constant 64 : index
      %get3A_185 = tpu.vector_load %arg5[%get3A_183, %get3A_184] {strides = array<i32>} : memref<128x128xf32, #tpu.memory_space<vmem>>, vector<1x16xf32>,
      %get3A_186 = vector.shape_cast %get3A_185 : vector<1x16xf32> to vector<16xf32>
      %add3A_187 = arith.addf %scan3A_163, %get3A_186 : vector<16xf32>
      %get3A_188 = arith.index_cast %scan3A_161 : i32 to index
      %get3A_189 = arith.constant 80 : index
      %get3A_190 = tpu.vector_load %arg5[%get3A_188, %get3A_189] {strides = array<i32>} : memref<128x128xf32, #tpu.memory_space<vmem>>, vector<1x16xf32>,
      %get3A_191 = vector.shape_cast %get3A_190 : vector<1x16xf32> to vector<16xf32>
      %add3A_192 = arith.addf %add3A_187, %get3A_191 : vector<16xf32>
      %get3A_193 = arith.index_cast %scan3A_161 : i32 to index
      %get3A_194 = arith.constant 96 : index
      %get3A_195 = tpu.vector_load %arg5[%get3A_193, %get3A_194] {strides = array<i32>} : memref<128x128xf32, #tpu.memory_space<vmem>>, vector<1x16xf32>,
      %get3A_196 = vector.shape_cast %get3A_195 : vector<1x16xf32> to vector<16xf32>
      %add3A_197 = arith.addf %add3A_192, %get3A_196 : vector<16xf32>
      %get3A_198 = arith.index_cast %scan3A_161 : i32 to index
      %get3A_199 = arith.constant 112 : index
      %get3A_200 = tpu.vector_load %arg5[%get3A_198, %get3A_199] {strides = array<i32>} : memref<128x128xf32, #tpu.memory_space<vmem>>, vector<1x16xf32>,
      %get3A_201 = vector.shape_cast %get3A_200 : vector<1x16xf32> to vector<16xf32>
      %add3A_202 = arith.addf %add3A_197, %get3A_201 : vector<16xf32>
      scf.yield %add3A_182, %add3A_202 : vector<16xf32>, vector<16xf32>
    }
    %scan3A_79 = arith.constant 128 : i32
    %dma_start3A_80 = arith.constant 3 : i32
    %dma_start3A_81 = arith.constant 1 : i32
    %dma_start3A_82 = arith.constant 0 : i32
    %dma_start3A_83 = tpu.memref_slice %arg2[%dma_start3A_80, %mul3A_2, %dma_start3A_82] : memref<4x4096x128xf32, #tpu.memory_space<hbm>> -> memref<1x128x128xf32, #tpu.memory_space<hbm>>
    %dma_start3A_84 = tpu.memref_squeeze %dma_start3A_83 : memref<1x128x128xf32, #tpu.memory_space<hbm>> -> memref<128x128xf32, #tpu.memory_space<hbm>>
    %dma_start3A_85 = tpu.memref_slice %arg7[%dma_start3A_81] : memref<2x!tpu.dma_semaphore, #tpu.memory_space<semaphore_mem>> -> memref<1x!tpu.dma_semaphore, #tpu.memory_space<semaphore_mem>>
    %dma_start3A_86 = tpu.memref_squeeze %dma_start3A_85 : memref<1x!tpu.dma_semaphore, #tpu.memory_space<semaphore_mem>> -> memref<!tpu.dma_semaphore, #tpu.memory_space<semaphore_mem>>
    %dma_start3A_87 = arith.constant 0 : i32
    %dma_start3A_88 = tpu.memref_slice %arg2[%dma_start3A_80, %mul3A_2, %dma_start3A_87] : memref<4x4096x128xf32, #tpu.memory_space<hbm>> -> memref<1x128x128xf32, #tpu.memory_space<hbm>>
    %dma_start3A_89 = tpu.memref_squeeze %dma_start3A_88 : memref<1x128x128xf32, #tpu.memory_space<hbm>> -> memref<128x128xf32, #tpu.memory_space<hbm>>
    tpu.enqueue_dma source(%dma_start3A_89 : memref<128x128xf32, #tpu.memory_space<hbm>>) target(%arg5 : memref<128x128xf32, #tpu.memory_space<vmem>>) target_semaphore(%dma_start3A_86 : memref<!tpu.dma_semaphore, #tpu.memory_space<semaphore_mem>>)
    %swap3A_90 = arith.constant 0 : index
    %swap3A_91 = tpu.vector_load %arg6[%swap3A_90] {strides = array<i32>} : memref<128xf32, #tpu.memory_space<vmem>>, vector<16xf32>,
    %swap3A_92 = vector.shape_cast %swap3A_91 : vector<16xf32> to vector<16xf32>
    %swap3A_93 = vector.shape_cast %scan3A_78#0 : vector<16xf32> to vector<16xf32>
    tpu.vector_store %arg6[%swap3A_90], %swap3A_93 {strides = array<i32>} : memref<128xf32, #tpu.memory_space<vmem>>, vector<16xf32>,
    %swap3A_94 = arith.constant 16 : index
    %swap3A_95 = tpu.vector_load %arg6[%swap3A_94] {strides = array<i32>} : memref<128xf32, #tpu.memory_space<vmem>>, vector<16xf32>,
    %swap3A_96 = vector.shape_cast %swap3A_95 : vector<16xf32> to vector<16xf32>
    %swap3A_97 = vector.shape_cast %scan3A_78#1 : vector<16xf32> to vector<16xf32>
    tpu.vector_store %arg6[%swap3A_94], %swap3A_97 {strides = array<i32>} : memref<128xf32, #tpu.memory_space<vmem>>, vector<16xf32>,
    %run_scoped3A_98 = arith.constant 1 : i32
    "tpu.region"() ({
      %run_scoped3A_161 = tpu.sem_alloc : memref<!tpu.dma_semaphore, #tpu.memory_space<semaphore_mem>>
      %dma_start3A_162 = arith.constant 0 : i32
      %dma_start3A_163 = tpu.memref_slice %arg3[%run_scoped3A_98, %add3A, %dma_start3A_162] : memref<4x32x128xf32, #tpu.memory_space<hbm>> -> memref<1x1x128xf32, #tpu.memory_space<hbm>>
      %dma_start3A_164 = tpu.memref_squeeze %dma_start3A_163 : memref<1x1x128xf32, #tpu.memory_space<hbm>> -> memref<128xf32, #tpu.memory_space<hbm>>
      %dma_start3A_165 = arith.constant 0 : i32
      %dma_start3A_166 = tpu.memref_slice %arg3[%run_scoped3A_98, %add3A, %dma_start3A_165] : memref<4x32x128xf32, #tpu.memory_space<hbm>> -> memref<1x1x128xf32, #tpu.memory_space<hbm>>
      %dma_start3A_167 = tpu.memref_squeeze %dma_start3A_166 : memref<1x1x128xf32, #tpu.memory_space<hbm>> -> memref<128xf32, #tpu.memory_space<hbm>>
      tpu.enqueue_dma source(%arg6 : memref<128xf32, #tpu.memory_space<vmem>>) target(%dma_start3A_167 : memref<128xf32, #tpu.memory_space<hbm>>) target_semaphore(%run_scoped3A_161 : memref<!tpu.dma_semaphore, #tpu.memory_space<semaphore_mem>>)
      %dma_wait3A_168 = arith.constant 0 : i32
      %dma_wait3A_169 = tpu.memref_slice %arg3[%run_scoped3A_98, %add3A, %dma_wait3A_168] : memref<4x32x128xf32, #tpu.memory_space<hbm>> -> memref<1x1x128xf32, #tpu.memory_space<hbm>>
      %dma_wait3A_170 = tpu.memref_squeeze %dma_wait3A_169 : memref<1x1x128xf32, #tpu.memory_space<hbm>> -> memref<128xf32, #tpu.memory_space<hbm>>
      %dma_wait3A_171 = arith.constant 0 : i32
      %dma_wait3A_172 = tpu.memref_slice %arg3[%run_scoped3A_98, %add3A, %dma_wait3A_171] : memref<4x32x128xf32, #tpu.memory_space<hbm>> -> memref<1x1x128xf32, #tpu.memory_space<hbm>>
      %dma_wait3A_173 = tpu.memref_squeeze %dma_wait3A_172 : memref<1x1x128xf32, #tpu.memory_space<hbm>> -> memref<128xf32, #tpu.memory_space<hbm>>
      tpu.wait_dma2 semaphore(%run_scoped3A_161 : memref<!tpu.dma_semaphore, #tpu.memory_space<semaphore_mem>>) src(%arg6 : memref<128xf32, #tpu.memory_space<vmem>>) dst(%dma_wait3A_173 : memref<128xf32, #tpu.memory_space<hbm>>)
      tpu.yield
    }) : () -> ()
    %dma_wait3A_99 = arith.constant 0 : i32
    %dma_wait3A_100 = arith.constant 0 : i32
    %dma_wait3A_101 = arith.constant 0 : i32
    %dma_wait3A_102 = arith.constant 0 : i32
    %dma_wait3A_103 = tpu.memref_slice %arg2[%dma_wait3A_99, %dma_wait3A_101, %dma_wait3A_102] : memref<4x4096x128xf32, #tpu.memory_space<hbm>> -> memref<1x128x128xf32, #tpu.memory_space<hbm>>
    %dma_wait3A_104 = tpu.memref_squeeze %dma_wait3A_103 : memref<1x128x128xf32, #tpu.memory_space<hbm>> -> memref<128x128xf32, #tpu.memory_space<hbm>>
    %dma_wait3A_105 = tpu.memref_slice %arg7[%dma_wait3A_100] : memref<2x!tpu.dma_semaphore, #tpu.memory_space<semaphore_mem>> -> memref<1x!tpu.dma_semaphore, #tpu.memory_space<semaphore_mem>>
    %dma_wait3A_106 = tpu.memref_squeeze %dma_wait3A_105 : memref<1x!tpu.dma_semaphore, #tpu.memory_space<semaphore_mem>> -> memref<!tpu.dma_semaphore, #tpu.memory_space<semaphore_mem>>
    %dma_wait3A_107 = arith.constant 0 : i32
    %dma_wait3A_108 = arith.constant 0 : i32
    %dma_wait3A_109 = tpu.memref_slice %arg2[%dma_wait3A_99, %dma_wait3A_107, %dma_wait3A_108] : memref<4x4096x128xf32, #tpu.memory_space<hbm>> -> memref<1x128x128xf32, #tpu.memory_space<hbm>>
    %dma_wait3A_110 = tpu.memref_squeeze %dma_wait3A_109 : memref<1x128x128xf32, #tpu.memory_space<hbm>> -> memref<128x128xf32, #tpu.memory_space<hbm>>
    tpu.wait_dma2 semaphore(%dma_wait3A_106 : memref<!tpu.dma_semaphore, #tpu.memory_space<semaphore_mem>>) src(%dma_wait3A_110 : memref<128x128xf32, #tpu.memory_space<hbm>>) dst(%arg4 : memref<128x128xf32, #tpu.memory_space<vmem>>)
    %broadcast_in_dim3A_111 = arith.constant 0.000000e+00 : f32
    %broadcast_in_dim3A_112 = vector.broadcast %broadcast_in_dim3A_111 : f32 to vector<16xf32>
    %broadcast_in_dim3A_113 = arith.constant 0.000000e+00 : f32
    %broadcast_in_dim3A_114 = vector.broadcast %broadcast_in_dim3A_113 : f32 to vector<16xf32>
    %scan3A_115 = arith.constant 0 : i32
    %scan3A_116 = arith.constant 128 : i32
    %scan3A_117 = arith.addi %scan3A_115, %scan3A_116 : i32
    %scan3A_118 = arith.constant 1 : i32
    %scan3A_119:2 = scf.for %scan3A_161 = %scan3A_115 to %scan3A_117 step %scan3A_118 iter_args(%scan3A_162 = %broadcast_in_dim3A_112, %scan3A_163 = %broadcast_in_dim3A_114) -> (vector<16xf32>, vector<16xf32>)  : i32 {
      %get3A = arith.index_cast %scan3A_161 : i32 to index
      %get3A_164 = arith.constant 0 : index
      %get3A_165 = tpu.vector_load %arg4[%get3A, %get3A_164] {strides = array<i32>} : memref<128x128xf32, #tpu.memory_space<vmem>>, vector<1x16xf32>,
      %get3A_166 = vector.shape_cast %get3A_165 : vector<1x16xf32> to vector<16xf32>
      %add3A_167 = arith.addf %scan3A_162, %get3A_166 : vector<16xf32>
      %get3A_168 = arith.index_cast %scan3A_161 : i32 to index
      %get3A_169 = arith.constant 16 : index
      %get3A_170 = tpu.vector_load %arg4[%get3A_168, %get3A_169] {strides = array<i32>} : memref<128x128xf32, #tpu.memory_space<vmem>>, vector<1x16xf32>,
      %get3A_171 = vector.shape_cast %get3A_170 : vector<1x16xf32> to vector<16xf32>
      %add3A_172 = arith.addf %add3A_167, %get3A_171 : vector<16xf32>
      %get3A_173 = arith.index_cast %scan3A_161 : i32 to index
      %get3A_174 = arith.constant 32 : index
      %get3A_175 = tpu.vector_load %arg4[%get3A_173, %get3A_174] {strides = array<i32>} : memref<128x128xf32, #tpu.memory_space<vmem>>, vector<1x16xf32>,
      %get3A_176 = vector.shape_cast %get3A_175 : vector<1x16xf32> to vector<16xf32>
      %add3A_177 = arith.addf %add3A_172, %get3A_176 : vector<16xf32>
      %get3A_178 = arith.index_cast %scan3A_161 : i32 to index
      %get3A_179 = arith.constant 48 : index
      %get3A_180 = tpu.vector_load %arg4[%get3A_178, %get3A_179] {strides = array<i32>} : memref<128x128xf32, #tpu.memory_space<vmem>>, vector<1x16xf32>,
      %get3A_181 = vector.shape_cast %get3A_180 : vector<1x16xf32> to vector<16xf32>
      %add3A_182 = arith.addf %add3A_177, %get3A_181 : vector<16xf32>
      %get3A_183 = arith.index_cast %scan3A_161 : i32 to index
      %get3A_184 = arith.constant 64 : index
      %get3A_185 = tpu.vector_load %arg4[%get3A_183, %get3A_184] {strides = array<i32>} : memref<128x128xf32, #tpu.memory_space<vmem>>, vector<1x16xf32>,
      %get3A_186 = vector.shape_cast %get3A_185 : vector<1x16xf32> to vector<16xf32>
      %add3A_187 = arith.addf %scan3A_163, %get3A_186 : vector<16xf32>
      %get3A_188 = arith.index_cast %scan3A_161 : i32 to index
      %get3A_189 = arith.constant 80 : index
      %get3A_190 = tpu.vector_load %arg4[%get3A_188, %get3A_189] {strides = array<i32>} : memref<128x128xf32, #tpu.memory_space<vmem>>, vector<1x16xf32>,
      %get3A_191 = vector.shape_cast %get3A_190 : vector<1x16xf32> to vector<16xf32>
      %add3A_192 = arith.addf %add3A_187, %get3A_191 : vector<16xf32>
      %get3A_193 = arith.index_cast %scan3A_161 : i32 to index
      %get3A_194 = arith.constant 96 : index
      %get3A_195 = tpu.vector_load %arg4[%get3A_193, %get3A_194] {strides = array<i32>} : memref<128x128xf32, #tpu.memory_space<vmem>>, vector<1x16xf32>,
      %get3A_196 = vector.shape_cast %get3A_195 : vector<1x16xf32> to vector<16xf32>
      %add3A_197 = arith.addf %add3A_192, %get3A_196 : vector<16xf32>
      %get3A_198 = arith.index_cast %scan3A_161 : i32 to index
      %get3A_199 = arith.constant 112 : index
      %get3A_200 = tpu.vector_load %arg4[%get3A_198, %get3A_199] {strides = array<i32>} : memref<128x128xf32, #tpu.memory_space<vmem>>, vector<1x16xf32>,
      %get3A_201 = vector.shape_cast %get3A_200 : vector<1x16xf32> to vector<16xf32>
      %add3A_202 = arith.addf %add3A_197, %get3A_201 : vector<16xf32>
      scf.yield %add3A_182, %add3A_202 : vector<16xf32>, vector<16xf32>
    }
    %scan3A_120 = arith.constant 128 : i32
    %swap3A_121 = arith.constant 0 : index
    %swap3A_122 = tpu.vector_load %arg6[%swap3A_121] {strides = array<i32>} : memref<128xf32, #tpu.memory_space<vmem>>, vector<16xf32>,
    %swap3A_123 = vector.shape_cast %swap3A_122 : vector<16xf32> to vector<16xf32>
    %swap3A_124 = vector.shape_cast %scan3A_119#0 : vector<16xf32> to vector<16xf32>
    tpu.vector_store %arg6[%swap3A_121], %swap3A_124 {strides = array<i32>} : memref<128xf32, #tpu.memory_space<vmem>>, vector<16xf32>,
    %swap3A_125 = arith.constant 16 : index
    %swap3A_126 = tpu.vector_load %arg6[%swap3A_125] {strides = array<i32>} : memref<128xf32, #tpu.memory_space<vmem>>, vector<16xf32>,
    %swap3A_127 = vector.shape_cast %swap3A_126 : vector<16xf32> to vector<16xf32>
    %swap3A_128 = vector.shape_cast %scan3A_119#1 : vector<16xf32> to vector<16xf32>
    tpu.vector_store %arg6[%swap3A_125], %swap3A_128 {strides = array<i32>} : memref<128xf32, #tpu.memory_space<vmem>>, vector<16xf32>,
    %run_scoped3A_129 = arith.constant 2 : i32
    "tpu.region"() ({
      %run_scoped3A_161 = tpu.sem_alloc : memref<!tpu.dma_semaphore, #tpu.memory_space<semaphore_mem>>
      %dma_start3A_162 = arith.constant 0 : i32
      %dma_start3A_163 = tpu.memref_slice %arg3[%run_scoped3A_129, %add3A, %dma_start3A_162] : memref<4x32x128xf32, #tpu.memory_space<hbm>> -> memref<1x1x128xf32, #tpu.memory_space<hbm>>
      %dma_start3A_164 = tpu.memref_squeeze %dma_start3A_163 : memref<1x1x128xf32, #tpu.memory_space<hbm>> -> memref<128xf32, #tpu.memory_space<hbm>>
      %dma_start3A_165 = arith.constant 0 : i32
      %dma_start3A_166 = tpu.memref_slice %arg3[%run_scoped3A_129, %add3A, %dma_start3A_165] : memref<4x32x128xf32, #tpu.memory_space<hbm>> -> memref<1x1x128xf32, #tpu.memory_space<hbm>>
      %dma_start3A_167 = tpu.memref_squeeze %dma_start3A_166 : memref<1x1x128xf32, #tpu.memory_space<hbm>> -> memref<128xf32, #tpu.memory_space<hbm>>
      tpu.enqueue_dma source(%arg6 : memref<128xf32, #tpu.memory_space<vmem>>) target(%dma_start3A_167 : memref<128xf32, #tpu.memory_space<hbm>>) target_semaphore(%run_scoped3A_161 : memref<!tpu.dma_semaphore, #tpu.memory_space<semaphore_mem>>)
      %dma_wait3A_168 = arith.constant 0 : i32
      %dma_wait3A_169 = tpu.memref_slice %arg3[%run_scoped3A_129, %add3A, %dma_wait3A_168] : memref<4x32x128xf32, #tpu.memory_space<hbm>> -> memref<1x1x128xf32, #tpu.memory_space<hbm>>
      %dma_wait3A_170 = tpu.memref_squeeze %dma_wait3A_169 : memref<1x1x128xf32, #tpu.memory_space<hbm>> -> memref<128xf32, #tpu.memory_space<hbm>>
      %dma_wait3A_171 = arith.constant 0 : i32
      %dma_wait3A_172 = tpu.memref_slice %arg3[%run_scoped3A_129, %add3A, %dma_wait3A_171] : memref<4x32x128xf32, #tpu.memory_space<hbm>> -> memref<1x1x128xf32, #tpu.memory_space<hbm>>
      %dma_wait3A_173 = tpu.memref_squeeze %dma_wait3A_172 : memref<1x1x128xf32, #tpu.memory_space<hbm>> -> memref<128xf32, #tpu.memory_space<hbm>>
      tpu.wait_dma2 semaphore(%run_scoped3A_161 : memref<!tpu.dma_semaphore, #tpu.memory_space<semaphore_mem>>) src(%arg6 : memref<128xf32, #tpu.memory_space<vmem>>) dst(%dma_wait3A_173 : memref<128xf32, #tpu.memory_space<hbm>>)
      tpu.yield
    }) : () -> ()
    %dma_wait3A_130 = arith.constant 0 : i32
    %dma_wait3A_131 = arith.constant 1 : i32
    %dma_wait3A_132 = arith.constant 0 : i32
    %dma_wait3A_133 = arith.constant 0 : i32
    %dma_wait3A_134 = tpu.memref_slice %arg2[%dma_wait3A_130, %dma_wait3A_132, %dma_wait3A_133] : memref<4x4096x128xf32, #tpu.memory_space<hbm>> -> memref<1x128x128xf32, #tpu.memory_space<hbm>>
    %dma_wait3A_135 = tpu.memref_squeeze %dma_wait3A_134 : memref<1x128x128xf32, #tpu.memory_space<hbm>> -> memref<128x128xf32, #tpu.memory_space<hbm>>
    %dma_wait3A_136 = tpu.memref_slice %arg7[%dma_wait3A_131] : memref<2x!tpu.dma_semaphore, #tpu.memory_space<semaphore_mem>> -> memref<1x!tpu.dma_semaphore, #tpu.memory_space<semaphore_mem>>
    %dma_wait3A_137 = tpu.memref_squeeze %dma_wait3A_136 : memref<1x!tpu.dma_semaphore, #tpu.memory_space<semaphore_mem>> -> memref<!tpu.dma_semaphore, #tpu.memory_space<semaphore_mem>>
    %dma_wait3A_138 = arith.constant 0 : i32
    %dma_wait3A_139 = arith.constant 0 : i32
    %dma_wait3A_140 = tpu.memref_slice %arg2[%dma_wait3A_130, %dma_wait3A_138, %dma_wait3A_139] : memref<4x4096x128xf32, #tpu.memory_space<hbm>> -> memref<1x128x128xf32, #tpu.memory_space<hbm>>
    %dma_wait3A_141 = tpu.memref_squeeze %dma_wait3A_140 : memref<1x128x128xf32, #tpu.memory_space<hbm>> -> memref<128x128xf32, #tpu.memory_space<hbm>>
    tpu.wait_dma2 semaphore(%dma_wait3A_137 : memref<!tpu.dma_semaphore, #tpu.memory_space<semaphore_mem>>) src(%dma_wait3A_141 : memref<128x128xf32, #tpu.memory_space<hbm>>) dst(%arg5 : memref<128x128xf32, #tpu.memory_space<vmem>>)
    %broadcast_in_dim3A_142 = arith.constant 0.000000e+00 : f32
    %broadcast_in_dim3A_143 = vector.broadcast %broadcast_in_dim3A_142 : f32 to vector<16xf32>
    %broadcast_in_dim3A_144 = arith.constant 0.000000e+00 : f32
    %broadcast_in_dim3A_145 = vector.broadcast %broadcast_in_dim3A_144 : f32 to vector<16xf32>
    %scan3A_146 = arith.constant 0 : i32
    %scan3A_147 = arith.constant 128 : i32
    %scan3A_148 = arith.addi %scan3A_146, %scan3A_147 : i32
    %scan3A_149 = arith.constant 1 : i32
    %scan3A_150:2 = scf.for %scan3A_161 = %scan3A_146 to %scan3A_148 step %scan3A_149 iter_args(%scan3A_162 = %broadcast_in_dim3A_143, %scan3A_163 = %broadcast_in_dim3A_145) -> (vector<16xf32>, vector<16xf32>)  : i32 {
      %get3A = arith.index_cast %scan3A_161 : i32 to index
      %get3A_164 = arith.constant 0 : index
      %get3A_165 = tpu.vector_load %arg5[%get3A, %get3A_164] {strides = array<i32>} : memref<128x128xf32, #tpu.memory_space<vmem>>, vector<1x16xf32>,
      %get3A_166 = vector.shape_cast %get3A_165 : vector<1x16xf32> to vector<16xf32>
      %add3A_167 = arith.addf %scan3A_162, %get3A_166 : vector<16xf32>
      %get3A_168 = arith.index_cast %scan3A_161 : i32 to index
      %get3A_169 = arith.constant 16 : index
      %get3A_170 = tpu.vector_load %arg5[%get3A_168, %get3A_169] {strides = array<i32>} : memref<128x128xf32, #tpu.memory_space<vmem>>, vector<1x16xf32>,
      %get3A_171 = vector.shape_cast %get3A_170 : vector<1x16xf32> to vector<16xf32>
      %add3A_172 = arith.addf %add3A_167, %get3A_171 : vector<16xf32>
      %get3A_173 = arith.index_cast %scan3A_161 : i32 to index
      %get3A_174 = arith.constant 32 : index
      %get3A_175 = tpu.vector_load %arg5[%get3A_173, %get3A_174] {strides = array<i32>} : memref<128x128xf32, #tpu.memory_space<vmem>>, vector<1x16xf32>,
      %get3A_176 = vector.shape_cast %get3A_175 : vector<1x16xf32> to vector<16xf32>
      %add3A_177 = arith.addf %add3A_172, %get3A_176 : vector<16xf32>
      %get3A_178 = arith.index_cast %scan3A_161 : i32 to index
      %get3A_179 = arith.constant 48 : index
      %get3A_180 = tpu.vector_load %arg5[%get3A_178, %get3A_179] {strides = array<i32>} : memref<128x128xf32, #tpu.memory_space<vmem>>, vector<1x16xf32>,
      %get3A_181 = vector.shape_cast %get3A_180 : vector<1x16xf32> to vector<16xf32>
      %add3A_182 = arith.addf %add3A_177, %get3A_181 : vector<16xf32>
      %get3A_183 = arith.index_cast %scan3A_161 : i32 to index
      %get3A_184 = arith.constant 64 : index
      %get3A_185 = tpu.vector_load %arg5[%get3A_183, %get3A_184] {strides = array<i32>} : memref<128x128xf32, #tpu.memory_space<vmem>>, vector<1x16xf32>,
      %get3A_186 = vector.shape_cast %get3A_185 : vector<1x16xf32> to vector<16xf32>
      %add3A_187 = arith.addf %scan3A_163, %get3A_186 : vector<16xf32>
      %get3A_188 = arith.index_cast %scan3A_161 : i32 to index
      %get3A_189 = arith.constant 80 : index
      %get3A_190 = tpu.vector_load %arg5[%get3A_188, %get3A_189] {strides = array<i32>} : memref<128x128xf32, #tpu.memory_space<vmem>>, vector<1x16xf32>,
      %get3A_191 = vector.shape_cast %get3A_190 : vector<1x16xf32> to vector<16xf32>
      %add3A_192 = arith.addf %add3A_187, %get3A_191 : vector<16xf32>
      %get3A_193 = arith.index_cast %scan3A_161 : i32 to index
      %get3A_194 = arith.constant 96 : index
      %get3A_195 = tpu.vector_load %arg5[%get3A_193, %get3A_194] {strides = array<i32>} : memref<128x128xf32, #tpu.memory_space<vmem>>, vector<1x16xf32>,
      %get3A_196 = vector.shape_cast %get3A_195 : vector<1x16xf32> to vector<16xf32>
      %add3A_197 = arith.addf %add3A_192, %get3A_196 : vector<16xf32>
      %get3A_198 = arith.index_cast %scan3A_161 : i32 to index
      %get3A_199 = arith.constant 112 : index
      %get3A_200 = tpu.vector_load %arg5[%get3A_198, %get3A_199] {strides = array<i32>} : memref<128x128xf32, #tpu.memory_space<vmem>>, vector<1x16xf32>,
      %get3A_201 = vector.shape_cast %get3A_200 : vector<1x16xf32> to vector<16xf32>
      %add3A_202 = arith.addf %add3A_197, %get3A_201 : vector<16xf32>
      scf.yield %add3A_182, %add3A_202 : vector<16xf32>, vector<16xf32>
    }
    %scan3A_151 = arith.constant 128 : i32
    %swap3A_152 = arith.constant 0 : index
    %swap3A_153 = tpu.vector_load %arg6[%swap3A_152] {strides = array<i32>} : memref<128xf32, #tpu.memory_space<vmem>>, vector<16xf32>,
    %swap3A_154 = vector.shape_cast %swap3A_153 : vector<16xf32> to vector<16xf32>
    %swap3A_155 = vector.shape_cast %scan3A_150#0 : vector<16xf32> to vector<16xf32>
    tpu.vector_store %arg6[%swap3A_152], %swap3A_155 {strides = array<i32>} : memref<128xf32, #tpu.memory_space<vmem>>, vector<16xf32>,
    %swap3A_156 = arith.constant 16 : index
    %swap3A_157 = tpu.vector_load %arg6[%swap3A_156] {strides = array<i32>} : memref<128xf32, #tpu.memory_space<vmem>>, vector<16xf32>,
    %swap3A_158 = vector.shape_cast %swap3A_157 : vector<16xf32> to vector<16xf32>
    %swap3A_159 = vector.shape_cast %scan3A_150#1 : vector<16xf32> to vector<16xf32>
    tpu.vector_store %arg6[%swap3A_156], %swap3A_159 {strides = array<i32>} : memref<128xf32, #tpu.memory_space<vmem>>, vector<16xf32>,
    %run_scoped3A_160 = arith.constant 3 : i32
    "tpu.region"() ({
      %run_scoped3A_161 = tpu.sem_alloc : memref<!tpu.dma_semaphore, #tpu.memory_space<semaphore_mem>>
      %dma_start3A_162 = arith.constant 0 : i32
      %dma_start3A_163 = tpu.memref_slice %arg3[%run_scoped3A_160, %add3A, %dma_start3A_162] : memref<4x32x128xf32, #tpu.memory_space<hbm>> -> memref<1x1x128xf32, #tpu.memory_space<hbm>>
      %dma_start3A_164 = tpu.memref_squeeze %dma_start3A_163 : memref<1x1x128xf32, #tpu.memory_space<hbm>> -> memref<128xf32, #tpu.memory_space<hbm>>
      %dma_start3A_165 = arith.constant 0 : i32
      %dma_start3A_166 = tpu.memref_slice %arg3[%run_scoped3A_160, %add3A, %dma_start3A_165] : memref<4x32x128xf32, #tpu.memory_space<hbm>> -> memref<1x1x128xf32, #tpu.memory_space<hbm>>
      %dma_start3A_167 = tpu.memref_squeeze %dma_start3A_166 : memref<1x1x128xf32, #tpu.memory_space<hbm>> -> memref<128xf32, #tpu.memory_space<hbm>>
      tpu.enqueue_dma source(%arg6 : memref<128xf32, #tpu.memory_space<vmem>>) target(%dma_start3A_167 : memref<128xf32, #tpu.memory_space<hbm>>) target_semaphore(%run_scoped3A_161 : memref<!tpu.dma_semaphore, #tpu.memory_space<semaphore_mem>>)
      %dma_wait3A_168 = arith.constant 0 : i32
      %dma_wait3A_169 = tpu.memref_slice %arg3[%run_scoped3A_160, %add3A, %dma_wait3A_168] : memref<4x32x128xf32, #tpu.memory_space<hbm>> -> memref<1x1x128xf32, #tpu.memory_space<hbm>>
      %dma_wait3A_170 = tpu.memref_squeeze %dma_wait3A_169 : memref<1x1x128xf32, #tpu.memory_space<hbm>> -> memref<128xf32, #tpu.memory_space<hbm>>
      %dma_wait3A_171 = arith.constant 0 : i32
      %dma_wait3A_172 = tpu.memref_slice %arg3[%run_scoped3A_160, %add3A, %dma_wait3A_171] : memref<4x32x128xf32, #tpu.memory_space<hbm>> -> memref<1x1x128xf32, #tpu.memory_space<hbm>>
      %dma_wait3A_173 = tpu.memref_squeeze %dma_wait3A_172 : memref<1x1x128xf32, #tpu.memory_space<hbm>> -> memref<128xf32, #tpu.memory_space<hbm>>
      tpu.wait_dma2 semaphore(%run_scoped3A_161 : memref<!tpu.dma_semaphore, #tpu.memory_space<semaphore_mem>>) src(%arg6 : memref<128xf32, #tpu.memory_space<vmem>>) dst(%dma_wait3A_173 : memref<128xf32, #tpu.memory_space<hbm>>)
      tpu.yield
    }) : () -> ()
    return
  }
}

module attributes {stable_mosaic.version = 14 : i64} {
  func.func @_combine(%arg0: memref<4x32x128xf32, #tpu.memory_space<vmem>>, %arg1: memref<1x1xf32, #tpu.memory_space<vmem>>) attributes {dimension_semantics = [], scalar_prefetch = 0 : i64, scratch_operands = 0 : i64, tpu.core_type = #tpu.core_type<tc>} {
    %get3A = arith.constant 0 : index
    %get3A_0 = arith.constant 0 : index
    %get3A_1 = arith.constant 0 : index
    %get3A_2 = vector.load %arg0[%get3A, %get3A_0, %get3A_1] : memref<4x32x128xf32, #tpu.memory_space<vmem>>, vector<4x32x128xf32>
    %reduce_sum3A = arith.constant dense<0.000000e+00> : vector<4x128xf32>
    %reduce_sum3A_3 = vector.multi_reduction <add>, %get3A_2, %reduce_sum3A [1] : vector<4x32x128xf32> to vector<4x128xf32>
    %slice3A = vector.extract_strided_slice %reduce_sum3A_3 {offsets = [0, 0], sizes = [4, 16], strides = [1, 1]} : vector<4x128xf32> to vector<4x16xf32>
    %reduce_sum3A_4 = arith.constant dense<0.000000e+00> : vector<4xf32>
    %reduce_sum3A_5 = vector.multi_reduction <add>, %slice3A, %reduce_sum3A_4 [1] : vector<4x16xf32> to vector<4xf32>
    %broadcast_in_dim3A = vector.shape_cast %reduce_sum3A_5 : vector<4xf32> to vector<4x1xf32>
    %slice3A_6 = vector.extract_strided_slice %reduce_sum3A_3 {offsets = [0, 16], sizes = [4, 16], strides = [1, 1]} : vector<4x128xf32> to vector<4x16xf32>
    %reduce_sum3A_7 = arith.constant dense<0.000000e+00> : vector<4xf32>
    %reduce_sum3A_8 = vector.multi_reduction <add>, %slice3A_6, %reduce_sum3A_7 [1] : vector<4x16xf32> to vector<4xf32>
    %broadcast_in_dim3A_9 = vector.shape_cast %reduce_sum3A_8 : vector<4xf32> to vector<4x1xf32>
    %gt3A = arith.constant 0.000000e+00 : f32
    %gt3A_10 = vector.broadcast %gt3A : f32 to vector<4x1xf32>
    %gt3A_11 = arith.cmpf ogt, %broadcast_in_dim3A_9, %gt3A_10 : vector<4x1xf32>
    %gt3A_12 = arith.constant 0.000000e+00 : f32
    %gt3A_13 = vector.broadcast %gt3A_12 : f32 to vector<4x1xf32>
    %gt3A_14 = arith.cmpf ogt, %broadcast_in_dim3A_9, %gt3A_13 : vector<4x1xf32>
    %jit3A = arith.constant 1.000000e+00 : f32
    %broadcast_in_dim3A_15 = vector.broadcast %jit3A : f32 to vector<4x1xf32>
    %select_n3A = arith.select %gt3A_14, %broadcast_in_dim3A_9, %broadcast_in_dim3A_15 : vector<4x1xi1>, vector<4x1xf32>
    %div3A = arith.divf %broadcast_in_dim3A, %select_n3A : vector<4x1xf32>
    %jit3A_16 = arith.constant 0.000000e+00 : f32
    %broadcast_in_dim3A_17 = vector.broadcast %jit3A_16 : f32 to vector<4x1xf32>
    %select_n3A_18 = arith.select %gt3A_11, %div3A, %broadcast_in_dim3A_17 : vector<4x1xi1>, vector<4x1xf32>
    %reduce_sum3A_19 = arith.constant dense<0.000000e+00> : vector<1xf32>
    %reduce_sum3A_20 = vector.multi_reduction <add>, %select_n3A_18, %reduce_sum3A_19 [0] : vector<4x1xf32> to vector<1xf32>
    %broadcast_in_dim3A_21 = vector.shape_cast %reduce_sum3A_20 : vector<1xf32> to vector<1x1xf32>
    %mul3A = arith.constant 2.500000e-01 : f32
    %mul3A_22 = vector.broadcast %mul3A : f32 to vector<1x1xf32>
    %mul3A_23 = arith.mulf %broadcast_in_dim3A_21, %mul3A_22 : vector<1x1xf32>
    %swap3A = arith.constant 0 : index
    %swap3A_24 = arith.constant 0 : index
    %swap3A_25 = vector.load %arg1[%swap3A, %swap3A_24] : memref<1x1xf32, #tpu.memory_space<vmem>>, vector<1x1xf32>
    tpu.vector_store %arg1[%swap3A, %swap3A_24], %mul3A_23 {strides = array<i32>} : memref<1x1xf32, #tpu.memory_space<vmem>>, vector<1x1xf32>,
    return
  }
}

module attributes {stable_mosaic.version = 14 : i64} {
  func.func @_tc_stage1(%arg0: i32, %arg1: i32, %arg2: memref<1x12x16x64x64xf32, #tpu.memory_space<vmem>>, %arg3: memref<1x12x16x64x64xf32, #tpu.memory_space<vmem>>, %arg4: memref<1x16x64x64xi32, #tpu.memory_space<vmem>>, %arg5: memref<1x1024x128xf32, #tpu.memory_space<vmem>>) attributes {dimension_semantics = [#tpu.dimension_semantics<arbitrary>, #tpu.dimension_semantics<arbitrary>], iteration_bounds = array<i64: 4, 4>, scalar_prefetch = 0 : i64, scratch_operands = 0 : i64, tpu.core_type = #tpu.core_type<tc>, window_params = [{transform_indices = @transform_0, window_bounds = array<i64: 1, 12, 16, 64, 64>}, {transform_indices = @transform_1, window_bounds = array<i64: 1, 12, 16, 64, 64>}, {transform_indices = @transform_2, window_bounds = array<i64: 1, 16, 64, 64>}, {transform_indices = @transform_3, window_bounds = array<i64: 1, 1024, 128>}]} {
    %get3A = arith.constant 0 : index
    %get3A_0 = arith.constant 0 : index
    %get3A_1 = arith.constant 0 : index
    %get3A_2 = arith.constant 0 : index
    %get3A_3 = arith.constant 0 : index
    %get3A_4 = vector.load %arg2[%get3A, %get3A_0, %get3A_1, %get3A_2, %get3A_3] : memref<1x12x16x64x64xf32, #tpu.memory_space<vmem>>, vector<1x12x16x64x64xf32>
    %get3A_5 = vector.shape_cast %get3A_4 : vector<1x12x16x64x64xf32> to vector<12x16x64x64xf32>
    %get3A_6 = arith.constant 0 : index
    %get3A_7 = arith.constant 0 : index
    %get3A_8 = arith.constant 0 : index
    %get3A_9 = arith.constant 0 : index
    %get3A_10 = arith.constant 0 : index
    %get3A_11 = vector.load %arg3[%get3A_6, %get3A_7, %get3A_8, %get3A_9, %get3A_10] : memref<1x12x16x64x64xf32, #tpu.memory_space<vmem>>, vector<1x12x16x64x64xf32>
    %get3A_12 = vector.shape_cast %get3A_11 : vector<1x12x16x64x64xf32> to vector<12x16x64x64xf32>
    %reduce_max3A = arith.constant dense<0xFF800000> : vector<16x64x64xf32>
    %reduce_max3A_13 = vector.multi_reduction <maximumf>, %get3A_5, %reduce_max3A [0] : vector<12x16x64x64xf32> to vector<16x64x64xf32>
    %broadcast_in_dim3A = vector.shape_cast %reduce_max3A_13 : vector<16x64x64xf32> to vector<1x16x64x64xf32>
    %sub3A = vector.broadcast %broadcast_in_dim3A : vector<1x16x64x64xf32> to vector<12x16x64x64xf32>
    %sub3A_14 = arith.subf %get3A_5, %sub3A : vector<12x16x64x64xf32>
    %exp3A = math.exp %sub3A_14 : vector<12x16x64x64xf32>
    %reduce_sum3A = arith.constant dense<0.000000e+00> : vector<16x64x64xf32>
    %reduce_sum3A_15 = vector.multi_reduction <add>, %exp3A, %reduce_sum3A [0] : vector<12x16x64x64xf32> to vector<16x64x64xf32>
    %log3A = math.log %reduce_sum3A_15 : vector<16x64x64xf32>
    %add3A = arith.addf %reduce_max3A_13, %log3A : vector<16x64x64xf32>
    %mul3A = arith.mulf %get3A_12, %get3A_5 : vector<12x16x64x64xf32>
    %reduce_sum3A_16 = arith.constant dense<0.000000e+00> : vector<16x64x64xf32>
    %reduce_sum3A_17 = vector.multi_reduction <add>, %mul3A, %reduce_sum3A_16 [0] : vector<12x16x64x64xf32> to vector<16x64x64xf32>
    %reduce_sum3A_18 = arith.constant dense<0.000000e+00> : vector<16x64x64xf32>
    %reduce_sum3A_19 = vector.multi_reduction <add>, %get3A_12, %reduce_sum3A_18 [0] : vector<12x16x64x64xf32> to vector<16x64x64xf32>
    %sub3A_20 = arith.subf %add3A, %reduce_sum3A_17 : vector<16x64x64xf32>
    %reshape3A = vector.shape_cast %sub3A_20 : vector<16x64x64xf32> to vector<1024x64xf32>
    %reshape3A_21 = vector.shape_cast %reduce_sum3A_19 : vector<16x64x64xf32> to vector<1024x64xf32>
    %get3A_22 = arith.constant 0 : index
    %get3A_23 = arith.constant 0 : index
    %get3A_24 = arith.constant 0 : index
    %get3A_25 = arith.constant 0 : index
    %get3A_26 = vector.load %arg4[%get3A_22, %get3A_23, %get3A_24, %get3A_25] : memref<1x16x64x64xi32, #tpu.memory_space<vmem>>, vector<1x16x64x64xi32>
    %get3A_27 = vector.shape_cast %get3A_26 : vector<1x16x64x64xi32> to vector<16x64x64xi32>
    %reshape3A_28 = vector.shape_cast %get3A_27 : vector<16x64x64xi32> to vector<1024x64xi32>
    %gt3A = arith.constant 0 : i32
    %gt3A_29 = vector.broadcast %gt3A : i32 to vector<1024x64xi32>
    %gt3A_30 = arith.cmpi sgt, %reshape3A_28, %gt3A_29 : vector<1024x64xi32>
    %eq3A = arith.constant 1.000000e+00 : f32
    %eq3A_31 = vector.broadcast %eq3A : f32 to vector<1024x64xf32>
    %eq3A_32 = arith.cmpf oeq, %reshape3A_21, %eq3A_31 : vector<1024x64xf32>
    %and3A = arith.andi %gt3A_30, %eq3A_32 : vector<1024x64xi1>
    %jit3A = arith.constant 0.000000e+00 : f32
    %broadcast_in_dim3A_33 = vector.broadcast %jit3A : f32 to vector<1024x64xf32>
    %select_n3A = arith.select %and3A, %reshape3A, %broadcast_in_dim3A_33 : vector<1024x64xi1>, vector<1024x64xf32>
    %swap3A = arith.constant 0 : index
    %swap3A_34 = arith.constant 0 : index
    %swap3A_35 = arith.constant 0 : index
    %swap3A_36 = vector.load %arg5[%swap3A, %swap3A_34, %swap3A_35] : memref<1x1024x128xf32, #tpu.memory_space<vmem>>, vector<1x1024x64xf32>
    %swap3A_37 = vector.shape_cast %swap3A_36 : vector<1x1024x64xf32> to vector<1024x64xf32>
    %swap3A_38 = vector.shape_cast %select_n3A : vector<1024x64xf32> to vector<1x1024x64xf32>
    tpu.vector_store %arg5[%swap3A, %swap3A_34, %swap3A_35], %swap3A_38 {strides = array<i32>} : memref<1x1024x128xf32, #tpu.memory_space<vmem>>, vector<1x1024x64xf32>,
    %jit3A_39 = arith.constant 1.000000e+00 : f32
    %jit3A_40 = arith.constant 0.000000e+00 : f32
    %broadcast_in_dim3A_41 = vector.broadcast %jit3A_39 : f32 to vector<1024x64xf32>
    %broadcast_in_dim3A_42 = vector.broadcast %jit3A_40 : f32 to vector<1024x64xf32>
    %select_n3A_43 = arith.select %and3A, %broadcast_in_dim3A_41, %broadcast_in_dim3A_42 : vector<1024x64xi1>, vector<1024x64xf32>
    %swap3A_44 = arith.constant 0 : index
    %swap3A_45 = arith.constant 0 : index
    %swap3A_46 = arith.constant 64 : index
    %swap3A_47 = vector.load %arg5[%swap3A_44, %swap3A_45, %swap3A_46] : memref<1x1024x128xf32, #tpu.memory_space<vmem>>, vector<1x1024x64xf32>
    %swap3A_48 = vector.shape_cast %swap3A_47 : vector<1x1024x64xf32> to vector<1024x64xf32>
    %swap3A_49 = vector.shape_cast %select_n3A_43 : vector<1024x64xf32> to vector<1x1024x64xf32>
    tpu.vector_store %arg5[%swap3A_44, %swap3A_45, %swap3A_46], %swap3A_49 {strides = array<i32>} : memref<1x1024x128xf32, #tpu.memory_space<vmem>>, vector<1x1024x64xf32>,
    return
  }
  func.func @transform_0(%arg0: i32, %arg1: i32) -> (i32, i32, i32, i32, i32) {
    %c0_i32 = arith.constant 0 : i32
    %c0_i32_0 = arith.constant 0 : i32
    %c0_i32_1 = arith.constant 0 : i32
    %c0_i32_2 = arith.constant 0 : i32
    return %arg0, %c0_i32, %arg1, %c0_i32_0, %c0_i32_1 : i32, i32, i32, i32, i32
  }
  func.func @transform_1(%arg0: i32, %arg1: i32) -> (i32, i32, i32, i32, i32) {
    %c0_i32 = arith.constant 0 : i32
    %c0_i32_0 = arith.constant 0 : i32
    %c0_i32_1 = arith.constant 0 : i32
    %c0_i32_2 = arith.constant 0 : i32
    return %arg0, %c0_i32, %arg1, %c0_i32_0, %c0_i32_1 : i32, i32, i32, i32, i32
  }
  func.func @transform_2(%arg0: i32, %arg1: i32) -> (i32, i32, i32, i32) {
    %c0_i32 = arith.constant 0 : i32
    %c0_i32_0 = arith.constant 0 : i32
    %c0_i32_1 = arith.constant 0 : i32
    return %arg0, %arg1, %c0_i32, %c0_i32_0 : i32, i32, i32, i32
  }
  func.func @transform_3(%arg0: i32, %arg1: i32) -> (i32, i32, i32) {
    %c0_i32 = arith.constant 0 : i32
    %c0_i32_0 = arith.constant 0 : i32
    return %arg0, %arg1, %c0_i32 : i32, i32, i32
  }
}

</mosaic_0001>

<sc_bundles>
// kernel: kernel.5.cloned.1.call-start
scs
__scs_entry_jumppad:
0x0: {  	(pc) =	sbr.rel $0x88, $3  }
0x1: {  	(tag) =	ssettag $0x0;
	lr =	simm.s32 $0x1  }
0x2: {  	[smem:$0x3F9E] =	sst lr;
	_ =	strace $0xD0000000  }
0x3: {  	_ = 	snop  }
0x4: {  	_ = 	snop  }
0x5: {  	_ = 	snop  }
0x6: {  	_ = 	snop  }
0x7: {  	_ = 	snop  }
__scs_overlays_trampoline_lowered:
0x8: {  	[smem:$0x3FAD] =	sst s0  }
0x9: {  	[smem:$0x3FAE] =	sst s1  }
0xa: {  	[smem:$0x3FAF] =	sst s2  }
0xb: {  	[smem:$0x3FB0] =	sst s3  }
0xc: {  	[smem:$0x3FB1] =	sst s4  }
0xd: {  	[smem:$0x3FB2] =	sst s5  }
0xe: {  	[smem:$0x3FB3] =	sst s6  }
0xf: {  	[smem:$0x3FB4] =	sst s7  }
0x10: {  	[smem:$0x3FB5] =	sst s8  }
0x11: {  	[smem:$0x3FB6] =	sst s9;
	s0 =	simm.s32 @!p0 $0x0  }
0x12: {  	s1 =	sld [smem:$0x3F9C];
	s0 =	simm.s32 @p0 $0x1  }
0x13: {  	[smem:$0x3FB7] =	sst s0;
	s0 =	simm.s32 @!p1 $0x0  }
0x14: {  	s2 =	sld [smem:$0x3F9B];
	s0 =	simm.s32 @p1 $0x1  }
0x15: {  	[smem:$0x3FB8] =	sst s0;
	s0 =	simm.s32 @!p2 $0x0  }
0x16: {  	s3 =	sld [smem:$0x3FDB];
	s0 =	simm.s32 @p2 $0x1  }
0x17: {  	s4 =	simm.s32 $0x1BF5;
	[smem:$0x3FBA] =	sst s0  }
0x18: {  	s0 =	sld [smem:$0x3F9D];
	_ =	swait.ge [sflag:s4], $0x0  }
0x19: {  	s7 =	sld [smem:$0x3F9E]  }
0x1a: {  	s8 =	sadd.s32 $0xFFFFE003, lr  }
0x1b: {  	s9 =	sadd.s32 $0xFFFFFEF7, lr;
	s5 =	simm.s32 $0xFFFFFFFF;
	p2 =	slt.u32 s8, $0xFFFFF086  }
0x1c: {  	p1 =	slt.u32 s9, $0xF7A;
	s5 =	simm.s32 @!p2 $0x0  }
0x1d: {  	s5 =	simm.s32 @p1 $0x1;
	p0 =	seq.s32 s7, s2  }
0x1e: {  	s7 =	smul.u32 @!p0 $0xF7A, s2;
	p2 =	seq.s32 @!p0 s5, $0x0  }
0x1f: {  	s9 =	smul.u32 $0xF7A, s1;
	s8 =	simm.s32 @!p0 $0x1BF5;
	p2 =	por !p2, p0  }
0x20: {  	[sflag:s8] =	ssyncset.s32 @!p0 $0xFFFFF086;
	s6 =	sadd.s32 @!p0 s3, s7;
	s7 =	simm.s32 @!p0 $0x108  }
0x21: {  	s3 =	sadd.s32 s3, s9;
	s6 =	sadd.s32 @!p0 $0x88, s6;
	s7 =	simm.s32 @p2 $0x1082  }
0x22: {  	[simem:s7], [sflag:s8] =	dma.local @!p0 [hbm:s6], $0xF7A  }
0x23: {  	s9 =	sor.u32 $0xD0000000, s2;
	s6 =	simm.s32 $0x108;
	_ =	swait.ge @!p0 [sflag:s8], $0x0  }
0x24: {  	s3 =	sadd.s32 $0x88, s3;
	s6 =	simm.s32 @!p1 $0x1082;
	[sflag:s4] =	ssyncset.s32 $0xFFFFF086  }
0x25: {  	[simem:s6], [sflag:s4] =	dma.local [hbm:s3], $0xF7A  }
0x26: {  	[smem:$0x3F9E] =	sst s1;
	(tag) =	ssettag s2;
	_ =	strace s9  }
0x27: {  	s1 =	sld [smem:$0x3FAE]  }
0x28: {  	s2 =	sld [smem:$0x3FAF]  }
0x29: {  	s4 =	sld [smem:$0x3FB1]  }
0x2a: {  	p0 =	seq.s32 s5, $0x0;
	s5 =	sld [smem:$0x3FB2]  }
0x2b: {  	s6 =	sld [smem:$0x3FB3]  }
0x2c: {  	s7 =	sld [smem:$0x3FB4]  }
0x2d: {  	s3 =	simm.s32 $0x108;
	s8 =	sld [smem:$0x3FB5]  }
0x2e: {  	s3 =	simm.s32 @!p0 $0x1082;
	s9 =	sld [smem:$0x3FB6]  }
0x2f: {  	lr =	sadd.s32 s0, s3;
	s0 =	sld [smem:$0x3FAD]  }
0x30: {  	s3 =	sld [smem:$0x3FB0]  }
0x31: {  	[smem:$0x3FB9] =	sst s10  }
0x32: {  	s10 =	sld [smem:$0x3FB7];
	_ =	sdelay $0x3  }
0x33: {  	p0 =	seq.s32 s10, $0x1;
	s10 =	sld [smem:$0x3FB9];
	_ =	sdelay $0x3  }
0x34: {  	[smem:$0x3FB9] =	sst s10  }
0x35: {  	s10 =	sld [smem:$0x3FB8];
	_ =	sdelay $0x3  }
0x36: {  	p1 =	seq.s32 s10, $0x1;
	s10 =	sld [smem:$0x3FB9];
	_ =	sdelay $0x3  }
0x37: {  	[smem:$0x3FB9] =	sst s10  }
0x38: {  	s10 =	sld [smem:$0x3FBA]  }
0x39: {  	_ = 	snop;
	(pc) =	sbr.ind lr, $3  }
0x3a: {  	_ = 	snop  }
0x3b: {  	_ = 	snop  }
0x3c: {  	p2 =	seq.s32 s10, $0x1;
	s10 =	sld [smem:$0x3FB9]  }
0x3d: {  	_ =	shalt  }
0x3e: {  	_ =	shalt  }
0x3f: {  	_ =	shalt  }
0x40: {  	_ =	shalt  }
0x41: {  	_ =	shalt  }
0x42: {  	_ =	shalt  }
0x43: {  	_ =	shalt  }
0x44: {  	_ =	shalt  }
0x45: {  	_ =	shalt  }
0x46: {  	_ =	shalt  }
0x47: {  	_ =	shalt  }
0x48: {  	_ =	shalt  }
0x49: {  	_ =	shalt  }
0x4a: {  	_ =	shalt  }
0x4b: {  	_ =	shalt  }
0x4c: {  	_ =	shalt  }
0x4d: {  	_ =	shalt  }
0x4e: {  	_ =	shalt  }
0x4f: {  	_ =	shalt  }
0x50: {  	_ =	shalt  }
0x51: {  	_ =	shalt  }
0x52: {  	_ =	shalt  }
0x53: {  	_ =	shalt  }
0x54: {  	_ =	shalt  }
0x55: {  	_ =	shalt  }
0x56: {  	_ =	shalt  }
0x57: {  	_ =	shalt  }
0x58: {  	_ =	shalt  }
0x59: {  	_ =	shalt  }
0x5a: {  	_ =	shalt  }
0x5b: {  	_ =	shalt  }
0x5c: {  	_ =	shalt  }
0x5d: {  	_ =	shalt  }
0x5e: {  	_ =	shalt  }
0x5f: {  	_ =	shalt  }
0x60: {  	_ =	shalt  }
0x61: {  	_ =	shalt  }
0x62: {  	_ =	shalt  }
0x63: {  	_ =	shalt  }
0x64: {  	_ =	shalt  }
0x65: {  	_ =	shalt  }
0x66: {  	_ =	shalt  }
0x67: {  	_ =	shalt  }
0x68: {  	_ =	shalt  }
0x69: {  	_ =	shalt  }
0x6a: {  	_ =	shalt  }
0x6b: {  	_ =	shalt  }
0x6c: {  	_ =	shalt  }
0x6d: {  	_ =	shalt  }
0x6e: {  	_ =	shalt  }
0x6f: {  	_ =	shalt  }
0x70: {  	_ =	shalt  }
0x71: {  	_ =	shalt  }
0x72: {  	_ =	shalt  }
0x73: {  	_ =	shalt  }
0x74: {  	_ =	shalt  }
0x75: {  	_ =	shalt  }
0x76: {  	_ =	shalt  }
0x77: {  	_ =	shalt  }
0x78: {  	_ =	shalt  }
0x79: {  	_ =	shalt  }
0x7a: {  	_ =	shalt  }
0x7b: {  	_ =	shalt  }
0x7c: {  	_ =	shalt  }
0x7d: {  	_ =	shalt  }
0x7e: {  	_ =	shalt  }
0x7f: {  	_ =	shalt  }
0x80: {  	_ =	shalt  }
0x81: {  	_ =	shalt  }
0x82: {  	_ =	shalt  }
0x83: {  	_ =	shalt  }
0x84: {  	_ =	shalt  }
0x85: {  	_ =	shalt  }
0x86: {  	_ =	shalt  }
0x87: {  	_ =	shalt  }
.Lfunc_end0:
.L_simem_size_0:
called_computation_lowered:
.L_overlay_start_0:
0x88: {  	s2 =	sld [smem:$0x3FD9]  }
0x89: {  	s3 =	sld [smem:$0x3FFE];
	_ =	sdelay $0x1  }
0x8a: {  	s1 =	srdreg.scid  }
0x8b: {  	s0 =	sand.u32 $0x1, s1  }
0x8c: {  	s16 =	sshll.u32 s0, $0xA;
	s2 =	sadd.s32 s3, s2  }
0x8d: {  	s2 =	sadd.s32 s2, s16  }
0x8e: {  	[smem:$0x3FC5] =	sst s2  }
0x8f: {  	_ = 	snop  }
0x90: {  	(tm) =	ssettm $0x1  }
0x91: {  	s17 =	sld [smem:$0x3FFB];
	_ =	sdelay $0x3  }
0x92: {  	_ =	strace s17  }
0x93: {  	s2 =	sld [smem:$0x3FFC];
	_ =	sdelay $0x3  }
0x94: {  	_ =	strace s2  }
0x95: {  	s2 =	sld [smem:$0x3FFD];
	_ =	sdelay $0x3  }
0x96: {  	_ =	strace s2  }
0x97: {  	_ =	strace $0x8FFFFFFF  }
0x98: {  	s18 =	sld [smem:$0x3FDB];
	_ =	sdelay $0x1  }
0x99: {  	s19 =	simm.s32 $_scs_section_size  }
0x9a: {  	s4 =	simm.s32 $_size__tile_overlayer_lowered;
	s5 =	simm.s32 $_tile_overlayer_lowered  }
0x9b: {  	s22 =	simm.s32 $0x1BFF;
	s21 =	sshll.u32 s5, $0x1;
	s2 =	sadd.s32 s19, s18  }
0x9c: {  	s6 =	simm.s32 $0x0;
	s20 =	sshll.u32 s4, $0x1;
	s4 =	sadd.s32 s21, s2  }
0x9d: {  	[timem:s6], [sflag:s22] =	dma.local [hbm:s4], s20  }
0x9e: {  	_ =	swait.ge [sflag:s22], s20  }
0x9f: {  	s3 =	ssub.s32 $0x0, s20;
	[sflag:s22] =	ssyncset.done $0x0  }
0xa0: {  	[sflag:s22] =	ssyncadd.s32 s3;
	_ =	sdelay $0x1  }
0xa1: {  	s23 =	simm.s32 $0x1B8B  }
0xa2: {  	_ =	swait.ge [sflag:s23], $0x1  }
0xa3: {  	[sflag:s23] =	ssyncset.done $0x0  }
0xa4: {  	s25 =	simm.s32 $0x1B8E;
	s24 =	sld [smem:$0x3FFE];
	[sflag:s23] =	ssyncadd.s32 $0xFFFFFFFF  }
0xa5: {  	s26 =	simm.s32 $execute0_lowered;
	[smem:$0x3FD2] =	sst s25  }
0xa6: {  	s4 =	sshll.u32 s26, $0x1;
	_ =	strace $0x80000046;
	[dreg:$0x1] =	wrdreg $0xFFFFFFFF  }
0xa7: {  	s28 =	simm.s32 $_size_execute0_lowered;
	s2 =	sadd.s32 s2, s4;
	[dreg:$0x0] =	wrdreg $0x0  }
0xa8: {  	s4 =	sshll.u32 s28, $0x1;
	[dreg:$0x2] =	wrdreg s2  }
0xa9: {  	[dreg:$0x3] =	wrdreg s4  }
0xaa: {  	[dreg:$0x4] =	wrdreg $0xC0  }
0xab: {  	_ =	task [dreg:s6], $0x5FFFF  }
0xac: {  	[dreg:$0x1] =	wrdreg $0xFFFFFFFF  }
0xad: {  	[dreg:$0x0] =	wrdreg $0x60  }
0xae: {  	[dreg:$0x2] =	wrdreg s24  }
0xaf: {  	[dreg:$0x3] =	wrdreg $0x9  }
0xb0: {  	_ =	task.clear_ibuf [dreg:s6], $0x4FFFF;
	_ =	strace $0x90000046  }
0xb1: {  	s29 =	simm.s32 $0x9;
	_ =	strace $0x80000048  }
0xb2: {  	_ =	swait.ge [sflag:s29], $0x1  }
0xb3: {  	[sflag:s29] =	ssyncadd.s32 $0xFFFFFFFF  }
0xb4: {  	_ =	strace $0x90000048  }
0xb5: {  	_ =	sfence  }
0xb6: {  	s30 =	sld [smem:$0x0];
	_ =	sdelay $0x2  }
0xb7: {  	s31 =	sshll.u32 s1, $0xD;
	s1 =	sshrl.u32 s1, $0x2  }
0xb8: {  	s3 =	sand.u32 $0x4000, s31;
	s1 =	sadd.s32 s1, s30  }
0xb9: {  	s0 =	sor.u32 s3, s0;
	s1 =	sshll.u32 s1, $0x11  }
0xba: {  	s0 =	sor.u32 s1, s0  }
0xbb: {  	s0 =	sadd.s32 $0x8F2B, s0  }
0xbc: {  	[sflag:s0] =	ssyncadd.remote.s32 $0x1  }
0xbd: {  	_ =	sfence.sel $0xFFFF  }
0xbe: {  	[dreg:$0x0] =	wrdreg $0xFFFFFFFF;
	(pc) =	sbr.abs _section_cstart, $3  }
0xbf: {  	[dreg:$0x1] =	wrdreg $0xFFFFFFFF  }
0xc0: {  	_ =	task.clear_ibuf [dreg:s6], $0x2FFFF;
	_ =	strace $0x9FFFFFFF  }
0xc1: {  	(tm) =	ssettm $0x7FFFFFFF  }
tec
execute0_lowered:
.L_overlay_start_1:
0x0: {  	(tag) =	ssettag $0x1  }
0x1: {  	s3 =	rddreg [dreg:$0x0]  }
0x2: {  	s0 =	rddreg [dreg:$0x1]  }
0x3: {  	s2 =	simm.s32 $0x0;
	s4 =	srdreg.scid;
	s1 =	stileid.u32  }
0x4: {  	s12 =	simm.s32 $0x4000;
	s13 =	simm.s32 $0x1;
	s14 =	simm.s32 $0x8000  }
0x5: {  	s15 =	simm.s32 $0x3;
	s16 =	simm.s32 $0x2;
	s17 =	simm.s32 $0x0  }
0x6: {  	[smem:$0x7FF] =	sst s2;
	s4 =	sand.u32 $0x1, s4;
	s5 =	sshll.u32 s1, $0x1  }
0x7: {  	_ =	strace $0x80000047;
	s5 =	sor.u32 s4, s5;
	s4 =	ssub.s32 $0x2, s4  }
0x8: {  	s6 =	sshll.u32 s5, $0xB;
	s5 =	sshll.u32 s5, $0x4;
	s7 =	sshrl.u32 s4, $0x1  }
0x9: {  	s8 =	sadd.s32 s6, s3;
	s10 =	sadd.s32 s5, s3;
	s11 =	ssub.s32 s4, s7  }
0xa: {  	s3 =	sadd.s32 $0x800, s8;
	s4 =	sadd.s32 $0x10800, s8;
	s5 =	sadd.s32 $0x20800, s8  }
0xb: {  	s6 =	sadd.s32 $0x40800, s10;
	s7 =	sadd.s32 $0x30800, s8;
	s8 =	sadd.s32 $0x40A00, s10  }
0xc: {  	s9 =	sadd.s32 $0x40C00, s10;
	s10 =	sadd.s32 $0x40E00, s10;
	s11 =	smax.u32 s11, $0x1  }
.LBB2_1:
0xd: {  	[tilespmem:s2], [sflag:$0x1] =	stream.linear.gather [hbm4b:s3+s2], $0x4000, $0x38;
	[tilespmem:$0x8080] =	vst v63  }
0xe: {  	_ = 	snop  }
0xf: {  	[tilespmem:s12], [sflag:$0x2] =	stream.linear.gather [hbm4b:s4+s2], $0x4000, $0x38;
	[tilespmem:$0x8080] =	vst v63  }
0x10: {  	_ =	swait.ge [sflag:s13], $0x4000  }
0x11: {  	[sflag:s13] =	ssyncset.done $0x0  }
0x12: {  	s19 =	simm.s32 $0x0;
	[sflag:s13] =	ssyncadd.s32 $0xFFFFC000  }
0x13: {  	v1 =	vld [tilespmem:s19+$0x0]  }
0x14: {  	v2 =	vld [tilespmem:s19+$0x40]  }
0x15: {  	v5 =	vld [tilespmem:s19+$0x10]  }
0x16: {  	v7 =	vld [tilespmem:s19+$0x50]  }
0x17: {  	v0 =	vld [tilespmem:s19+$0x20]  }
0x18: {  	v4 =	vimm.f32 $0.0e+00;
	v3 =	vld [tilespmem:s19+$0x60]  }
0x19: {  	v6 =	vadd.f32 v1, v4;
	v1 =	vld [tilespmem:s19+$0x30];
	v8 =	vadd.f32 v2, v4  }
0x1a: {  	s18 =	simm.s32 $0x80;
	v4 =	vld [tilespmem:s19+$0x70]  }
0x1b: {  	v2 =	vld [tilespmem:s18+$0x0];
	s19 =	simm.s32 $0x400;
	v6 =	vadd.f32 v5, v6;
	v5 =	vadd.f32 v7, v8  }
.LBB2_2:
0x1c: {  	p0 =	sne.s32 s19, $0xFE00;
	v7 =	vld [tilespmem:s18+$0x40]  }
0x1d: {  	v8 =	vld [tilespmem:s18+$0x10];
	v6 =	vadd.f32 v0, v6;
	v3 =	vadd.f32 v3, v5  }
0x1e: {  	v5 =	vld [tilespmem:s18+$0x50]  }
.Ltmp0:
0x1f: {  	v0 =	vld [tilespmem:s18+$0x20];
	v1 =	vadd.f32 v1, v6;
	v4 =	vadd.f32 v4, v3;
	(pc) =	sbr.rel @p0 .LBB2_2-.Ltmp0, $4  }
0x20: {  	v3 =	vld [tilespmem:s18+$0x60]  }
0x21: {  	v6 =	vadd.f32 v2, v1;
	v1 =	vld [tilespmem:s18+$0x30];
	v7 =	vadd.f32 v7, v4  }
0x22: {  	v4 =	vld [tilespmem:s18+$0x70];
	s18 =	sshra.s32 s19, $0x2  }
0x23: {  	s19 =	sadd.s32 $0x200, s19;
	v2 =	vld [tilespmem:s18+$0x0];
	v6 =	vadd.f32 v8, v6;
	v5 =	vadd.f32 v5, v7  }
0x24: {  	_ = 	snop  }
0x25: {  	v7 =	vld [tilespmem:s18+$0x40];
	v0 =	vadd.f32 v0, v6  }
0x26: {  	v6 =	vld [tilespmem:s18+$0x10];
	v3 =	vadd.f32 v3, v5  }
0x27: {  	v5 =	vld [tilespmem:s18+$0x50];
	v0 =	vadd.f32 v1, v0  }
0x28: {  	v1 =	vld [tilespmem:s18+$0x20];
	v3 =	vadd.f32 v4, v3  }
0x29: {  	v4 =	vld [tilespmem:s18+$0x60];
	v0 =	vadd.f32 v2, v0  }
0x2a: {  	v2 =	vld [tilespmem:s18+$0x30];
	v3 =	vadd.f32 v7, v3  }
0x2b: {  	v7 =	vld [tilespmem:s18+$0x70];
	v0 =	vadd.f32 v6, v0  }
0x2c: {  	v3 =	vadd.f32 v5, v3  }
0x2d: {  	v0 =	vadd.f32 v1, v0  }
0x2e: {  	v1 =	vadd.f32 v4, v3  }
0x2f: {  	s31 =	simm.s32 $0x0;
	v0 =	vadd.f32 v2, v0  }
0x30: {  	[tilespmem:s31], [sflag:$0x1] =	stream.linear.gather [hbm4b:s5+s31], $0x4000, $0x38;
	v1 =	vadd.f32 v7, v1;
	[tilespmem:$0x8080] =	vst v63  }
0x31: {  	[tilespmem:$0x8000] =	vst v0  }
0x32: {  	[tilespmem:$0x8010] =	vst v1  }
0x33: {  	[hbm4b:s6+s31] =	stream.linear.scatter [tilespmem:s14], [sflag:$0x3], $0x80, $0x38;
	[tilespmem:$0x8080] =	vst v63  }
0x34: {  	_ =	swait.ge [sflag:s15], $0x80  }
0x35: {  	[sflag:s15] =	ssyncset.done $0x0  }
0x36: {  	[sflag:s15] =	ssyncadd.s32 $0xFFFFFF80  }
0x37: {  	_ =	swait.ge [sflag:s16], $0x4000  }
0x38: {  	[sflag:s16] =	ssyncset.done $0x0  }
0x39: {  	s19 =	simm.s32 $0x0;
	[sflag:s16] =	ssyncadd.s32 $0xFFFFC000  }
0x3a: {  	v1 =	vld [tilespmem:s19+$0x4000]  }
0x3b: {  	v2 =	vld [tilespmem:s19+$0x4040]  }
0x3c: {  	v5 =	vld [tilespmem:s19+$0x4010]  }
0x3d: {  	v7 =	vld [tilespmem:s19+$0x4050]  }
0x3e: {  	v0 =	vld [tilespmem:s19+$0x4020]  }
0x3f: {  	v4 =	vimm.f32 $0.0e+00;
	v3 =	vld [tilespmem:s19+$0x4060]  }
0x40: {  	v6 =	vadd.f32 v1, v4;
	v1 =	vld [tilespmem:s19+$0x4030];
	v8 =	vadd.f32 v2, v4  }
0x41: {  	s18 =	simm.s32 $0x80;
	v4 =	vld [tilespmem:s19+$0x4070]  }
0x42: {  	v2 =	vld [tilespmem:s18+$0x4000];
	s19 =	simm.s32 $0x400;
	v6 =	vadd.f32 v5, v6;
	v5 =	vadd.f32 v7, v8  }
.LBB2_4:
0x43: {  	p0 =	sne.s32 s19, $0xFE00;
	v7 =	vld [tilespmem:s18+$0x4040]  }
0x44: {  	v8 =	vld [tilespmem:s18+$0x4010];
	v6 =	vadd.f32 v0, v6;
	v3 =	vadd.f32 v3, v5  }
0x45: {  	v5 =	vld [tilespmem:s18+$0x4050]  }
.Ltmp1:
0x46: {  	v0 =	vld [tilespmem:s18+$0x4020];
	v1 =	vadd.f32 v1, v6;
	v4 =	vadd.f32 v4, v3;
	(pc) =	sbr.rel @p0 .LBB2_4-.Ltmp1, $4  }
0x47: {  	v3 =	vld [tilespmem:s18+$0x4060]  }
0x48: {  	v6 =	vadd.f32 v2, v1;
	v1 =	vld [tilespmem:s18+$0x4030];
	v7 =	vadd.f32 v7, v4  }
0x49: {  	v4 =	vld [tilespmem:s18+$0x4070];
	s18 =	sshra.s32 s19, $0x2  }
0x4a: {  	s19 =	sadd.s32 $0x200, s19;
	v2 =	vld [tilespmem:s18+$0x4000];
	v6 =	vadd.f32 v8, v6;
	v5 =	vadd.f32 v5, v7  }
0x4b: {  	_ = 	snop  }
0x4c: {  	v7 =	vld [tilespmem:s18+$0x4040];
	v0 =	vadd.f32 v0, v6  }
0x4d: {  	v6 =	vld [tilespmem:s18+$0x4010];
	v3 =	vadd.f32 v3, v5  }
0x4e: {  	v5 =	vld [tilespmem:s18+$0x4050];
	v0 =	vadd.f32 v1, v0  }
0x4f: {  	v1 =	vld [tilespmem:s18+$0x4020];
	v3 =	vadd.f32 v4, v3  }
0x50: {  	v4 =	vld [tilespmem:s18+$0x4060];
	v0 =	vadd.f32 v2, v0  }
0x51: {  	v2 =	vld [tilespmem:s18+$0x4030];
	v3 =	vadd.f32 v7, v3  }
0x52: {  	v7 =	vld [tilespmem:s18+$0x4070];
	v0 =	vadd.f32 v6, v0  }
0x53: {  	v3 =	vadd.f32 v5, v3  }
0x54: {  	v0 =	vadd.f32 v1, v0  }
0x55: {  	v1 =	vadd.f32 v4, v3  }
0x56: {  	s31 =	simm.s32 $0x0;
	v0 =	vadd.f32 v2, v0  }
0x57: {  	[tilespmem:s12], [sflag:$0x2] =	stream.linear.gather [hbm4b:s7+s31], $0x4000, $0x38;
	v1 =	vadd.f32 v7, v1;
	[tilespmem:$0x8080] =	vst v63  }
0x58: {  	[tilespmem:$0x8000] =	vst v0  }
0x59: {  	[tilespmem:$0x8010] =	vst v1  }
0x5a: {  	[hbm4b:s8+s31] =	stream.linear.scatter [tilespmem:s14], [sflag:$0x3], $0x80, $0x38;
	[tilespmem:$0x8080] =	vst v63  }
0x5b: {  	_ =	swait.ge [sflag:s15], $0x80  }
0x5c: {  	[sflag:s15] =	ssyncset.done $0x0  }
0x5d: {  	[sflag:s15] =	ssyncadd.s32 $0xFFFFFF80  }
0x5e: {  	_ =	swait.ge [sflag:s13], $0x4000  }
0x5f: {  	[sflag:s13] =	ssyncset.done $0x0  }
0x60: {  	s19 =	simm.s32 $0x0;
	[sflag:s13] =	ssyncadd.s32 $0xFFFFC000  }
0x61: {  	v1 =	vld [tilespmem:s19+$0x0]  }
0x62: {  	v2 =	vld [tilespmem:s19+$0x40]  }
0x63: {  	v5 =	vld [tilespmem:s19+$0x10]  }
0x64: {  	v7 =	vld [tilespmem:s19+$0x50]  }
0x65: {  	v0 =	vld [tilespmem:s19+$0x20]  }
0x66: {  	v4 =	vimm.f32 $0.0e+00;
	v3 =	vld [tilespmem:s19+$0x60]  }
0x67: {  	v6 =	vadd.f32 v1, v4;
	v1 =	vld [tilespmem:s19+$0x30];
	v8 =	vadd.f32 v2, v4  }
0x68: {  	s18 =	simm.s32 $0x80;
	v4 =	vld [tilespmem:s19+$0x70]  }
0x69: {  	v2 =	vld [tilespmem:s18+$0x0];
	s19 =	simm.s32 $0x400;
	v6 =	vadd.f32 v5, v6;
	v5 =	vadd.f32 v7, v8  }
.LBB2_6:
0x6a: {  	p0 =	sne.s32 s19, $0xFE00;
	v7 =	vld [tilespmem:s18+$0x40]  }
0x6b: {  	v8 =	vld [tilespmem:s18+$0x10];
	v6 =	vadd.f32 v0, v6;
	v3 =	vadd.f32 v3, v5  }
0x6c: {  	v5 =	vld [tilespmem:s18+$0x50]  }
.Ltmp2:
0x6d: {  	v0 =	vld [tilespmem:s18+$0x20];
	v1 =	vadd.f32 v1, v6;
	v4 =	vadd.f32 v4, v3;
	(pc) =	sbr.rel @p0 .LBB2_6-.Ltmp2, $4  }
0x6e: {  	v3 =	vld [tilespmem:s18+$0x60]  }
0x6f: {  	v6 =	vadd.f32 v2, v1;
	v1 =	vld [tilespmem:s18+$0x30];
	v7 =	vadd.f32 v7, v4  }
0x70: {  	v4 =	vld [tilespmem:s18+$0x70];
	s18 =	sshra.s32 s19, $0x2  }
0x71: {  	s19 =	sadd.s32 $0x200, s19;
	v2 =	vld [tilespmem:s18+$0x0];
	v6 =	vadd.f32 v8, v6;
	v5 =	vadd.f32 v5, v7  }
0x72: {  	_ = 	snop  }
0x73: {  	v7 =	vld [tilespmem:s18+$0x40];
	v0 =	vadd.f32 v0, v6  }
0x74: {  	v6 =	vld [tilespmem:s18+$0x10];
	v3 =	vadd.f32 v3, v5  }
0x75: {  	v5 =	vld [tilespmem:s18+$0x50];
	v0 =	vadd.f32 v1, v0  }
0x76: {  	v1 =	vld [tilespmem:s18+$0x20];
	v3 =	vadd.f32 v4, v3  }
0x77: {  	v4 =	vld [tilespmem:s18+$0x60];
	v0 =	vadd.f32 v2, v0  }
0x78: {  	v2 =	vld [tilespmem:s18+$0x30];
	v3 =	vadd.f32 v7, v3  }
0x79: {  	v7 =	vld [tilespmem:s18+$0x70];
	v0 =	vadd.f32 v6, v0  }
0x7a: {  	v3 =	vadd.f32 v5, v3  }
0x7b: {  	v0 =	vadd.f32 v1, v0  }
0x7c: {  	v1 =	vadd.f32 v4, v3  }
0x7d: {  	v0 =	vadd.f32 v2, v0  }
0x7e: {  	v1 =	vadd.f32 v7, v1  }
0x7f: {  	[tilespmem:$0x8000] =	vst v0  }
0x80: {  	s31 =	simm.s32 $0x0;
	[tilespmem:$0x8010] =	vst v1  }
0x81: {  	[hbm4b:s9+s31] =	stream.linear.scatter [tilespmem:s14], [sflag:$0x3], $0x80, $0x38;
	[tilespmem:$0x8080] =	vst v63  }
0x82: {  	_ =	swait.ge [sflag:s15], $0x80  }
0x83: {  	[sflag:s15] =	ssyncset.done $0x0  }
0x84: {  	[sflag:s15] =	ssyncadd.s32 $0xFFFFFF80  }
0x85: {  	_ =	swait.ge [sflag:s16], $0x4000  }
0x86: {  	[sflag:s16] =	ssyncset.done $0x0  }
0x87: {  	s19 =	simm.s32 $0x0;
	[sflag:s16] =	ssyncadd.s32 $0xFFFFC000  }
0x88: {  	v1 =	vld [tilespmem:s19+$0x4000]  }
0x89: {  	v2 =	vld [tilespmem:s19+$0x4040]  }
0x8a: {  	v5 =	vld [tilespmem:s19+$0x4010]  }
0x8b: {  	v7 =	vld [tilespmem:s19+$0x4050]  }
0x8c: {  	v0 =	vld [tilespmem:s19+$0x4020]  }
0x8d: {  	v4 =	vimm.f32 $0.0e+00;
	v3 =	vld [tilespmem:s19+$0x4060]  }
0x8e: {  	v6 =	vadd.f32 v1, v4;
	v1 =	vld [tilespmem:s19+$0x4030];
	v8 =	vadd.f32 v2, v4  }
0x8f: {  	s18 =	simm.s32 $0x80;
	v4 =	vld [tilespmem:s19+$0x4070]  }
0x90: {  	v2 =	vld [tilespmem:s18+$0x4000];
	s19 =	simm.s32 $0x400;
	v6 =	vadd.f32 v5, v6;
	v5 =	vadd.f32 v7, v8  }
.LBB2_8:
0x91: {  	p0 =	sne.s32 s19, $0xFE00;
	v7 =	vld [tilespmem:s18+$0x4040]  }
0x92: {  	v8 =	vld [tilespmem:s18+$0x4010];
	v6 =	vadd.f32 v0, v6;
	v3 =	vadd.f32 v3, v5  }
0x93: {  	v5 =	vld [tilespmem:s18+$0x4050]  }
.Ltmp3:
0x94: {  	v0 =	vld [tilespmem:s18+$0x4020];
	v1 =	vadd.f32 v1, v6;
	v4 =	vadd.f32 v4, v3;
	(pc) =	sbr.rel @p0 .LBB2_8-.Ltmp3, $4  }
0x95: {  	v3 =	vld [tilespmem:s18+$0x4060]  }
0x96: {  	v6 =	vadd.f32 v2, v1;
	v1 =	vld [tilespmem:s18+$0x4030];
	v7 =	vadd.f32 v7, v4  }
0x97: {  	v4 =	vld [tilespmem:s18+$0x4070];
	s18 =	sshra.s32 s19, $0x2  }
0x98: {  	s19 =	sadd.s32 $0x200, s19;
	v2 =	vld [tilespmem:s18+$0x4000];
	v6 =	vadd.f32 v8, v6;
	v5 =	vadd.f32 v5, v7  }
0x99: {  	_ = 	snop  }
0x9a: {  	v7 =	vld [tilespmem:s18+$0x4040];
	v0 =	vadd.f32 v0, v6  }
0x9b: {  	v57 =	vld [tilespmem:s18+$0x4010];
	v3 =	vadd.f32 v3, v5  }
0x9c: {  	v58 =	vld [tilespmem:s18+$0x4050];
	v0 =	vadd.f32 v1, v0  }
0x9d: {  	v59 =	vld [tilespmem:s18+$0x4020];
	v3 =	vadd.f32 v4, v3  }
0x9e: {  	v60 =	vld [tilespmem:s18+$0x4060];
	v0 =	vadd.f32 v2, v0  }
0x9f: {  	v61 =	vld [tilespmem:s18+$0x4030];
	v3 =	vadd.f32 v7, v3  }
0xa0: {  	v62 =	vld [tilespmem:s18+$0x4070];
	v0 =	vadd.f32 v57, v0  }
0xa1: {  	v3 =	vadd.f32 v58, v3  }
0xa2: {  	v0 =	vadd.f32 v59, v0  }
0xa3: {  	v63 =	vadd.f32 v60, v3  }
0xa4: {  	v0 =	vadd.f32 v61, v0  }
0xa5: {  	s17 =	sadd.s32 $0x1, s17;
	v1 =	vadd.f32 v62, v63  }
0xa6: {  	p0 =	sne.s32 s17, s11;
	[tilespmem:$0x8000] =	vst v0  }
.Ltmp4:
0xa7: {  	[tilespmem:$0x8010] =	vst v1;
	(pc) =	sbr.rel @p0 .LBB2_1-.Ltmp4, $4  }
0xa8: {  	[hbm4b:s10+s2] =	stream.linear.scatter [tilespmem:s14], [sflag:$0x3], $0x80, $0x38;
	[tilespmem:$0x8080] =	vst v63  }
0xa9: {  	_ =	swait.ge [sflag:s15], $0x80  }
0xaa: {  	[sflag:s15] =	ssyncset.done $0x0  }
0xab: {  	[sflag:s15] =	ssyncadd.s32 $0xFFFFFF80  }
0xac: {  	_ =	sfence.sel $0x180000  }
0xad: {  	[bflag:$0x0] =	sbarrier.arrive $0xFFFF  }
0xae: {  	p0 =	sne.s32 s1, $0x0;
	_ =	strace $0x90000047  }
0xaf: {  	s0 =	sadd.s32 @!p0 $0x100000, s0;
	[bflag:$0x2] =	sbarrier.arrive $0xFFFF  }
0xb0: {  	[sflag:s0] =	ssyncadd.tile.s32 @!p0 $0x1;
	_ =	shalt  }
.Lfunc_end2:
_tile_overlayer_lowered:
.L_overlay_start_2:
0xb1: {  	(tag) =	ssettag $0x2  }
0xb2: {  	s0 =	rddreg [dreg:$0x0];
	s2 =	stileid.u32  }
0xb3: {  	s1 =	rddreg [dreg:$0x1];
	p0 =	sne.s32 s2, $0x0  }
0xb4: {  	s3 =	rddreg [dreg:$0x2];
	[bflag:$0x3] =	sbarrier.arrive $0xFFFF;
	s2 =	simm.s32 @!p0 $0x1C03  }
0xb5: {  	[timem:s3], [sflag:s2] =	dma.local @!p0 [hbm:s0], s1  }
0xb6: {  	s0 =	simm.s32 @!p0 $0x3  }
0xb7: {  	_ =	swait.ge @!p0 [sflag:s0], s1  }
0xb8: {  	s1 =	ssub.s32 @!p0 $0x0, s1;
	[sflag:s0] =	ssyncset.done @!p0 $0x0  }
0xb9: {  	[sflag:s0] =	ssyncadd.s32 @!p0 s1  }
0xba: {  	[bflag:$0x3] =	sbarrier.arrive $0xFFFF  }
0xbb: {  	_ =	shalt  }

</sc_bundles>
